<compile_context>
chip_gen: v7x
topology: tpu7x:2x2x1
jax: 0.10.2.dev20260603
libtpu: 0.0.44.dev20260713+nightly
codegen_flags: <defaults>
</compile_context>

<pallas_src>
import functools

import jax
import jax.numpy as jnp
from jax import lax
from jax.experimental import pallas as pl
from jax.experimental.pallas import tpu as pltpu
from jax.experimental.pallas import tpu_sc as plsc

L = 16
NC, NS = 2, 16
NW = NC * NS


@functools.lru_cache(maxsize=None)
def _sc_call(B, I, O, P):
    BW = B // NW
    IPL = I // L
    mesh = plsc.VectorSubcoreMesh(core_axis_name="c", subcore_axis_name="s",
                                  num_cores=NC, num_subcores=NS)

    @functools.partial(
        pl.kernel,
        out_type=jax.ShapeDtypeStruct((B * O,), jnp.float32),
        mesh=mesh,
        compiler_params=pltpu.CompilerParams(needs_layout_passes=False),
        scratch_types=[
            pltpu.VMEM((BW * I,), jnp.float32),
            pltpu.VMEM((I * P * O,), jnp.float32),
            pltpu.VMEM((BW * O,), jnp.float32),
        ],
    )
    def run(xw_hbm, vflat_hbm, out_hbm, x_v, vals_v, out_v):
        wid = lax.axis_index("s") * NC + lax.axis_index("c")
        pltpu.sync_copy(xw_hbm.at[pl.ds(wid * (BW * I), BW * I)], x_v)
        pltpu.sync_copy(vflat_hbm, vals_v)
        p0v = jnp.full((L,), -1.0, jnp.float32)
        inv_dxv = jnp.full((L,), (P - 1) / 2.0, jnp.float32)
        iota = lax.iota(jnp.int32, L)
        ivecs = [(iota + h * L) * (P * O) for h in range(IPL)]

        @plsc.parallel_loop(0, BW, 1, unroll=2)
        def row(b):
            acc = jnp.zeros((L,), jnp.float32)
            for h in range(IPL):
                xv = x_v[pl.ds(b * I + h * L, L)]
                kf = (xv - p0v) * inv_dxv
                kf = jnp.minimum(jnp.maximum(kf, jnp.float32(0.0)),
                                 jnp.float32(P - 1))
                ki = kf.astype(jnp.int32)
                ki = jnp.minimum(ki, P - 2)
                wv = kf - ki.astype(jnp.float32)
                av = ivecs[h] + ki * O
                for t in range(L):
                    idx0 = av[t] + iota
                    y0 = plsc.load_gather(vals_v, [idx0])
                    y1 = plsc.load_gather(vals_v, [idx0 + L])
                    acc = acc + (y0 + wv[t] * (y1 - y0))
            out_v[pl.ds(b * O, O)] = acc

        pltpu.sync_copy(out_v, out_hbm.at[pl.ds(wid * (BW * O), BW * O)])

    return run


def kernel(x, values, positions):
    B, I = x.shape
    _, O, P = values.shape
    xw = x.reshape(B * I)
    vflat = values.transpose(0, 2, 1).reshape(I * P * O)
    out = _sc_call(B, I, O, P)(xw, vflat)
    return out.reshape(B, O)

# --- scband reference (transcript-rebuilt; emitter-appended) ---
"""Pipeline reference for scband-adaptive-piecewise-linear-3564822856233 (READ-ONLY COPY).

The authoritative reference and input builder live on the scoring server;
editing this copy changes nothing except your own understanding.
"""

import jax, jax.numpy as jnp
import numpy as np

B, I, O, P = 2048, 32, 16, 32


def setup_inputs(seed: int = 0) -> dict:
    key = jax.random.key(seed)
    k1, k2 = jax.random.split(key)
    # forward input (fill=rand -> uniform [0,1), inside position_range [-1,1])
    x = jax.random.uniform(k1, (B, I), dtype=jnp.float32)
    # learned parameter: values, init randn * 0.1 (per nn.Parameter init)
    values = jax.random.normal(k2, (I, O, P), dtype=jnp.float32) * 0.1
    # non-learnable buffer: positions = linspace(-1,1,P) repeated over (I,O)
    positions = jnp.tile(jnp.linspace(-1.0, 1.0, P, dtype=jnp.float32), (I, O, 1))
    return {"x": x, "values": values, "positions": positions}


def reference(x, values, positions):
    # x: (B, I); positions/values: (I, O, P)
    xb = x[:, :, None, None]                      # (B, I, 1, 1)
    pos = positions[None]                         # (1, I, O, P)
    mask = (xb >= pos[..., :-1]) & (xb < pos[..., 1:])  # (B, I, O, P-1)
    x0 = positions[..., :-1][None]
    x1 = positions[..., 1:][None]
    y0 = values[..., :-1][None]
    y1 = values[..., 1:][None]
    slopes = (y1 - y0) / (x1 - x0)                # (1, I, O, P-1)
    interpolated = y0 + (xb - x0) * slopes        # (B, I, O, P-1)
    output = jnp.sum(interpolated * mask, axis=-1)  # (B, I, O)
    left_mask = (xb < pos[..., 0:1])[..., 0]        # (B, I, O)
    right_mask = (xb >= pos[..., -1:])[..., 0]      # (B, I, O)
    output = output + values[..., 0][None] * left_mask
    output = output + values[..., -1][None] * right_mask
    return output.sum(axis=1)                      # (B, O)

if __name__ == "__main__":
    import jax
    _d = setup_inputs()
    print(jax.jit(kernel)(*tuple(_d.values())))

</pallas_src>

<mosaic_0001>
#map = affine_map<(d0, d1) -> (0)>
module attributes {stable_mosaic.version = 14 : i64} {
  func.func @run(%arg0: i32, %arg1: i32, %arg2: memref<65536xf32, #tpu.memory_space<hbm>>, %arg3: memref<16384xf32, #tpu.memory_space<hbm>>, %arg4: memref<32768xf32, #tpu.memory_space<hbm>>, %arg5: memref<2048xf32, #tpu.memory_space<vmem>>, %arg6: memref<16384xf32, #tpu.memory_space<vmem>>, %arg7: memref<1024xf32, #tpu.memory_space<vmem>>) attributes {dimension_semantics = [#tpu.dimension_semantics<core_parallel>, #tpu.dimension_semantics<subcore_parallel>], iteration_bounds = array<i64: 2, 16>, scalar_prefetch = 0 : i64, scratch_operands = 3 : i64, tpu.core_type = #tpu.core_type<sc_vector_subcore>, window_params = [{transform_indices = #map}, {transform_indices = #map}, {transform_indices = #map}]} {
    %mul3A = arith.constant 2 : i32
    %mul3A_0 = arith.muli %arg1, %mul3A : i32
    %add3A = arith.addi %mul3A_0, %arg0 : i32
    %mul3A_1 = arith.constant 2048 : i32
    %mul3A_2 = arith.muli %add3A, %mul3A_1 : i32
    "tpu.region"() ({
      %run_scoped3A = tpu.sem_alloc : memref<!tpu.dma_semaphore, #tpu.memory_space<semaphore_mem>>
      %dma_start3A = tpu.memref_slice %arg2[%mul3A_2] : memref<65536xf32, #tpu.memory_space<hbm>> -> memref<2048xf32, #tpu.memory_space<hbm>>
      %dma_start3A_22 = tpu.memref_slice %arg2[%mul3A_2] : memref<65536xf32, #tpu.memory_space<hbm>> -> memref<2048xf32, #tpu.memory_space<hbm>>
      tpu.enqueue_dma source(%dma_start3A_22 : memref<2048xf32, #tpu.memory_space<hbm>>) target(%arg5 : memref<2048xf32, #tpu.memory_space<vmem>>) target_semaphore(%run_scoped3A : memref<!tpu.dma_semaphore, #tpu.memory_space<semaphore_mem>>)
      %dma_wait3A = tpu.memref_slice %arg2[%mul3A_2] : memref<65536xf32, #tpu.memory_space<hbm>> -> memref<2048xf32, #tpu.memory_space<hbm>>
      %dma_wait3A_23 = tpu.memref_slice %arg2[%mul3A_2] : memref<65536xf32, #tpu.memory_space<hbm>> -> memref<2048xf32, #tpu.memory_space<hbm>>
      tpu.wait_dma2 semaphore(%run_scoped3A : memref<!tpu.dma_semaphore, #tpu.memory_space<semaphore_mem>>) src(%dma_wait3A_23 : memref<2048xf32, #tpu.memory_space<hbm>>) dst(%arg5 : memref<2048xf32, #tpu.memory_space<vmem>>)
      tpu.yield
    }) : () -> ()
    "tpu.region"() ({
      %run_scoped3A = tpu.sem_alloc : memref<!tpu.dma_semaphore, #tpu.memory_space<semaphore_mem>>
      tpu.enqueue_dma source(%arg3 : memref<16384xf32, #tpu.memory_space<hbm>>) target(%arg6 : memref<16384xf32, #tpu.memory_space<vmem>>) target_semaphore(%run_scoped3A : memref<!tpu.dma_semaphore, #tpu.memory_space<semaphore_mem>>)
      tpu.wait_dma2 semaphore(%run_scoped3A : memref<!tpu.dma_semaphore, #tpu.memory_space<semaphore_mem>>) src(%arg3 : memref<16384xf32, #tpu.memory_space<hbm>>) dst(%arg6 : memref<16384xf32, #tpu.memory_space<vmem>>)
      tpu.yield
    }) : () -> ()
    %broadcast_in_dim3A = arith.constant -1.000000e+00 : f32
    %broadcast_in_dim3A_3 = vector.broadcast %broadcast_in_dim3A : f32 to vector<16xf32>
    %broadcast_in_dim3A_4 = arith.constant 1.550000e+01 : f32
    %broadcast_in_dim3A_5 = vector.broadcast %broadcast_in_dim3A_4 : f32 to vector<16xf32>
    %iota3A = tpu.iota {dimensions = array<i32: 0>} : vector<16xi32>
    %add3A_6 = arith.constant 0 : i32
    %add3A_7 = vector.broadcast %add3A_6 : i32 to vector<16xi32>
    %add3A_8 = arith.addi %iota3A, %add3A_7 : vector<16xi32>
    %mul3A_9 = arith.constant 512 : i32
    %mul3A_10 = vector.broadcast %mul3A_9 : i32 to vector<16xi32>
    %mul3A_11 = arith.muli %add3A_8, %mul3A_10 : vector<16xi32>
    %add3A_12 = arith.constant 16 : i32
    %add3A_13 = vector.broadcast %add3A_12 : i32 to vector<16xi32>
    %add3A_14 = arith.addi %iota3A, %add3A_13 : vector<16xi32>
    %mul3A_15 = arith.constant 512 : i32
    %mul3A_16 = vector.broadcast %mul3A_15 : i32 to vector<16xi32>
    %mul3A_17 = arith.muli %add3A_14, %mul3A_16 : vector<16xi32>
    %parallel_loop3A = arith.constant 0 : i32
    %parallel_loop3A_18 = arith.constant 64 : i32
    %parallel_loop3A_19 = arith.constant 1 : i32
    scf.for %parallel_loop3A_22 = %parallel_loop3A to %parallel_loop3A_18 step %parallel_loop3A_19  : i32 {
      %parallel_loop3A_23 = arith.constant 0.000000e+00 : f32
      %parallel_loop3A_24 = vector.broadcast %parallel_loop3A_23 : f32 to vector<16xf32>
      %parallel_loop3A_25 = arith.constant 32 : i32
      %parallel_loop3A_26 = arith.muli %parallel_loop3A_22, %parallel_loop3A_25 : i32
      %parallel_loop3A_27 = arith.constant 0 : i32
      %parallel_loop3A_28 = arith.addi %parallel_loop3A_26, %parallel_loop3A_27 : i32
      %parallel_loop3A_29 = arith.index_cast %parallel_loop3A_28 : i32 to index
      %parallel_loop3A_30 = tpu.vector_load %arg5[%parallel_loop3A_29] {strides = array<i32>} : memref<2048xf32, #tpu.memory_space<vmem>>, vector<16xf32>,
      %parallel_loop3A_31 = arith.subf %parallel_loop3A_30, %broadcast_in_dim3A_3 : vector<16xf32>
      %parallel_loop3A_32 = arith.mulf %parallel_loop3A_31, %broadcast_in_dim3A_5 : vector<16xf32>
      %parallel_loop3A_33 = arith.constant 0.000000e+00 : f32
      %parallel_loop3A_34 = vector.broadcast %parallel_loop3A_33 : f32 to vector<16xf32>
      %parallel_loop3A_35 = arith.maximumf %parallel_loop3A_32, %parallel_loop3A_34 : vector<16xf32>
      %parallel_loop3A_36 = arith.constant 3.100000e+01 : f32
      %parallel_loop3A_37 = vector.broadcast %parallel_loop3A_36 : f32 to vector<16xf32>
      %parallel_loop3A_38 = arith.minimumf %parallel_loop3A_35, %parallel_loop3A_37 : vector<16xf32>
      %parallel_loop3A_39 = arith.fptosi %parallel_loop3A_38 : vector<16xf32> to vector<16xi32>
      %parallel_loop3A_40 = arith.constant 30 : i32
      %parallel_loop3A_41 = vector.broadcast %parallel_loop3A_40 : i32 to vector<16xi32>
      %parallel_loop3A_42 = arith.minsi %parallel_loop3A_39, %parallel_loop3A_41 : vector<16xi32>
      %parallel_loop3A_43 = arith.sitofp %parallel_loop3A_42 : vector<16xi32> to vector<16xf32>
      %parallel_loop3A_44 = arith.subf %parallel_loop3A_38, %parallel_loop3A_43 : vector<16xf32>
      %parallel_loop3A_45 = arith.constant 16 : i32
      %parallel_loop3A_46 = vector.broadcast %parallel_loop3A_45 : i32 to vector<16xi32>
      %parallel_loop3A_47 = arith.muli %parallel_loop3A_42, %parallel_loop3A_46 : vector<16xi32>
      %parallel_loop3A_48 = arith.addi %mul3A_11, %parallel_loop3A_47 : vector<16xi32>
      %parallel_loop3A_49 = vector.extract_strided_slice %parallel_loop3A_48 {offsets = [0], sizes = [1], strides = [1]} : vector<16xi32> to vector<1xi32>
      %parallel_loop3A_50 = vector.extract %parallel_loop3A_49[0] : i32 from vector<1xi32>
      %parallel_loop3A_51 = vector.broadcast %parallel_loop3A_50 : i32 to vector<16xi32>
      %parallel_loop3A_52 = arith.addi %parallel_loop3A_51, %iota3A : vector<16xi32>
      %parallel_loop3A_53 = tpu.vector_load_idx %arg6[%parallel_loop3A_52] : memref<16384xf32, #tpu.memory_space<vmem>>[vector<16xi32>], vector<16xf32>,
      %parallel_loop3A_54 = arith.constant 16 : i32
      %parallel_loop3A_55 = vector.broadcast %parallel_loop3A_54 : i32 to vector<16xi32>
      %parallel_loop3A_56 = arith.addi %parallel_loop3A_52, %parallel_loop3A_55 : vector<16xi32>
      %parallel_loop3A_57 = tpu.vector_load_idx %arg6[%parallel_loop3A_56] : memref<16384xf32, #tpu.memory_space<vmem>>[vector<16xi32>], vector<16xf32>,
      %parallel_loop3A_58 = vector.extract_strided_slice %parallel_loop3A_44 {offsets = [0], sizes = [1], strides = [1]} : vector<16xf32> to vector<1xf32>
      %parallel_loop3A_59 = vector.extract %parallel_loop3A_58[0] : f32 from vector<1xf32>
      %parallel_loop3A_60 = arith.subf %parallel_loop3A_57, %parallel_loop3A_53 : vector<16xf32>
      %parallel_loop3A_61 = vector.broadcast %parallel_loop3A_59 : f32 to vector<16xf32>
      %parallel_loop3A_62 = arith.mulf %parallel_loop3A_61, %parallel_loop3A_60 : vector<16xf32>
      %parallel_loop3A_63 = arith.addf %parallel_loop3A_53, %parallel_loop3A_62 : vector<16xf32>
      %parallel_loop3A_64 = arith.addf %parallel_loop3A_24, %parallel_loop3A_63 : vector<16xf32>
      %parallel_loop3A_65 = vector.extract_strided_slice %parallel_loop3A_48 {offsets = [1], sizes = [1], strides = [1]} : vector<16xi32> to vector<1xi32>
      %parallel_loop3A_66 = vector.extract %parallel_loop3A_65[0] : i32 from vector<1xi32>
      %parallel_loop3A_67 = vector.broadcast %parallel_loop3A_66 : i32 to vector<16xi32>
      %parallel_loop3A_68 = arith.addi %parallel_loop3A_67, %iota3A : vector<16xi32>
      %parallel_loop3A_69 = tpu.vector_load_idx %arg6[%parallel_loop3A_68] : memref<16384xf32, #tpu.memory_space<vmem>>[vector<16xi32>], vector<16xf32>,
      %parallel_loop3A_70 = arith.constant 16 : i32
      %parallel_loop3A_71 = vector.broadcast %parallel_loop3A_70 : i32 to vector<16xi32>
      %parallel_loop3A_72 = arith.addi %parallel_loop3A_68, %parallel_loop3A_71 : vector<16xi32>
      %parallel_loop3A_73 = tpu.vector_load_idx %arg6[%parallel_loop3A_72] : memref<16384xf32, #tpu.memory_space<vmem>>[vector<16xi32>], vector<16xf32>,
      %parallel_loop3A_74 = vector.extract_strided_slice %parallel_loop3A_44 {offsets = [1], sizes = [1], strides = [1]} : vector<16xf32> to vector<1xf32>
      %parallel_loop3A_75 = vector.extract %parallel_loop3A_74[0] : f32 from vector<1xf32>
      %parallel_loop3A_76 = arith.subf %parallel_loop3A_73, %parallel_loop3A_69 : vector<16xf32>
      %parallel_loop3A_77 = vector.broadcast %parallel_loop3A_75 : f32 to vector<16xf32>
      %parallel_loop3A_78 = arith.mulf %parallel_loop3A_77, %parallel_loop3A_76 : vector<16xf32>
      %parallel_loop3A_79 = arith.addf %parallel_loop3A_69, %parallel_loop3A_78 : vector<16xf32>
      %parallel_loop3A_80 = arith.addf %parallel_loop3A_64, %parallel_loop3A_79 : vector<16xf32>
      %parallel_loop3A_81 = vector.extract_strided_slice %parallel_loop3A_48 {offsets = [2], sizes = [1], strides = [1]} : vector<16xi32> to vector<1xi32>
      %parallel_loop3A_82 = vector.extract %parallel_loop3A_81[0] : i32 from vector<1xi32>
      %parallel_loop3A_83 = vector.broadcast %parallel_loop3A_82 : i32 to vector<16xi32>
      %parallel_loop3A_84 = arith.addi %parallel_loop3A_83, %iota3A : vector<16xi32>
      %parallel_loop3A_85 = tpu.vector_load_idx %arg6[%parallel_loop3A_84] : memref<16384xf32, #tpu.memory_space<vmem>>[vector<16xi32>], vector<16xf32>,
      %parallel_loop3A_86 = arith.constant 16 : i32
      %parallel_loop3A_87 = vector.broadcast %parallel_loop3A_86 : i32 to vector<16xi32>
      %parallel_loop3A_88 = arith.addi %parallel_loop3A_84, %parallel_loop3A_87 : vector<16xi32>
      %parallel_loop3A_89 = tpu.vector_load_idx %arg6[%parallel_loop3A_88] : memref<16384xf32, #tpu.memory_space<vmem>>[vector<16xi32>], vector<16xf32>,
      %parallel_loop3A_90 = vector.extract_strided_slice %parallel_loop3A_44 {offsets = [2], sizes = [1], strides = [1]} : vector<16xf32> to vector<1xf32>
      %parallel_loop3A_91 = vector.extract %parallel_loop3A_90[0] : f32 from vector<1xf32>
      %parallel_loop3A_92 = arith.subf %parallel_loop3A_89, %parallel_loop3A_85 : vector<16xf32>
      %parallel_loop3A_93 = vector.broadcast %parallel_loop3A_91 : f32 to vector<16xf32>
      %parallel_loop3A_94 = arith.mulf %parallel_loop3A_93, %parallel_loop3A_92 : vector<16xf32>
      %parallel_loop3A_95 = arith.addf %parallel_loop3A_85, %parallel_loop3A_94 : vector<16xf32>
      %parallel_loop3A_96 = arith.addf %parallel_loop3A_80, %parallel_loop3A_95 : vector<16xf32>
      %parallel_loop3A_97 = vector.extract_strided_slice %parallel_loop3A_48 {offsets = [3], sizes = [1], strides = [1]} : vector<16xi32> to vector<1xi32>
      %parallel_loop3A_98 = vector.extract %parallel_loop3A_97[0] : i32 from vector<1xi32>
      %parallel_loop3A_99 = vector.broadcast %parallel_loop3A_98 : i32 to vector<16xi32>
      %parallel_loop3A_100 = arith.addi %parallel_loop3A_99, %iota3A : vector<16xi32>
      %parallel_loop3A_101 = tpu.vector_load_idx %arg6[%parallel_loop3A_100] : memref<16384xf32, #tpu.memory_space<vmem>>[vector<16xi32>], vector<16xf32>,
      %parallel_loop3A_102 = arith.constant 16 : i32
      %parallel_loop3A_103 = vector.broadcast %parallel_loop3A_102 : i32 to vector<16xi32>
      %parallel_loop3A_104 = arith.addi %parallel_loop3A_100, %parallel_loop3A_103 : vector<16xi32>
      %parallel_loop3A_105 = tpu.vector_load_idx %arg6[%parallel_loop3A_104] : memref<16384xf32, #tpu.memory_space<vmem>>[vector<16xi32>], vector<16xf32>,
      %parallel_loop3A_106 = vector.extract_strided_slice %parallel_loop3A_44 {offsets = [3], sizes = [1], strides = [1]} : vector<16xf32> to vector<1xf32>
      %parallel_loop3A_107 = vector.extract %parallel_loop3A_106[0] : f32 from vector<1xf32>
      %parallel_loop3A_108 = arith.subf %parallel_loop3A_105, %parallel_loop3A_101 : vector<16xf32>
      %parallel_loop3A_109 = vector.broadcast %parallel_loop3A_107 : f32 to vector<16xf32>
      %parallel_loop3A_110 = arith.mulf %parallel_loop3A_109, %parallel_loop3A_108 : vector<16xf32>
      %parallel_loop3A_111 = arith.addf %parallel_loop3A_101, %parallel_loop3A_110 : vector<16xf32>
      %parallel_loop3A_112 = arith.addf %parallel_loop3A_96, %parallel_loop3A_111 : vector<16xf32>
      %parallel_loop3A_113 = vector.extract_strided_slice %parallel_loop3A_48 {offsets = [4], sizes = [1], strides = [1]} : vector<16xi32> to vector<1xi32>
      %parallel_loop3A_114 = vector.extract %parallel_loop3A_113[0] : i32 from vector<1xi32>
      %parallel_loop3A_115 = vector.broadcast %parallel_loop3A_114 : i32 to vector<16xi32>
      %parallel_loop3A_116 = arith.addi %parallel_loop3A_115, %iota3A : vector<16xi32>
      %parallel_loop3A_117 = tpu.vector_load_idx %arg6[%parallel_loop3A_116] : memref<16384xf32, #tpu.memory_space<vmem>>[vector<16xi32>], vector<16xf32>,
      %parallel_loop3A_118 = arith.constant 16 : i32
      %parallel_loop3A_119 = vector.broadcast %parallel_loop3A_118 : i32 to vector<16xi32>
      %parallel_loop3A_120 = arith.addi %parallel_loop3A_116, %parallel_loop3A_119 : vector<16xi32>
      %parallel_loop3A_121 = tpu.vector_load_idx %arg6[%parallel_loop3A_120] : memref<16384xf32, #tpu.memory_space<vmem>>[vector<16xi32>], vector<16xf32>,
      %parallel_loop3A_122 = vector.extract_strided_slice %parallel_loop3A_44 {offsets = [4], sizes = [1], strides = [1]} : vector<16xf32> to vector<1xf32>
      %parallel_loop3A_123 = vector.extract %parallel_loop3A_122[0] : f32 from vector<1xf32>
      %parallel_loop3A_124 = arith.subf %parallel_loop3A_121, %parallel_loop3A_117 : vector<16xf32>
      %parallel_loop3A_125 = vector.broadcast %parallel_loop3A_123 : f32 to vector<16xf32>
      %parallel_loop3A_126 = arith.mulf %parallel_loop3A_125, %parallel_loop3A_124 : vector<16xf32>
      %parallel_loop3A_127 = arith.addf %parallel_loop3A_117, %parallel_loop3A_126 : vector<16xf32>
      %parallel_loop3A_128 = arith.addf %parallel_loop3A_112, %parallel_loop3A_127 : vector<16xf32>
      %parallel_loop3A_129 = vector.extract_strided_slice %parallel_loop3A_48 {offsets = [5], sizes = [1], strides = [1]} : vector<16xi32> to vector<1xi32>
      %parallel_loop3A_130 = vector.extract %parallel_loop3A_129[0] : i32 from vector<1xi32>
      %parallel_loop3A_131 = vector.broadcast %parallel_loop3A_130 : i32 to vector<16xi32>
      %parallel_loop3A_132 = arith.addi %parallel_loop3A_131, %iota3A : vector<16xi32>
      %parallel_loop3A_133 = tpu.vector_load_idx %arg6[%parallel_loop3A_132] : memref<16384xf32, #tpu.memory_space<vmem>>[vector<16xi32>], vector<16xf32>,
      %parallel_loop3A_134 = arith.constant 16 : i32
      %parallel_loop3A_135 = vector.broadcast %parallel_loop3A_134 : i32 to vector<16xi32>
      %parallel_loop3A_136 = arith.addi %parallel_loop3A_132, %parallel_loop3A_135 : vector<16xi32>
      %parallel_loop3A_137 = tpu.vector_load_idx %arg6[%parallel_loop3A_136] : memref<16384xf32, #tpu.memory_space<vmem>>[vector<16xi32>], vector<16xf32>,
      %parallel_loop3A_138 = vector.extract_strided_slice %parallel_loop3A_44 {offsets = [5], sizes = [1], strides = [1]} : vector<16xf32> to vector<1xf32>
      %parallel_loop3A_139 = vector.extract %parallel_loop3A_138[0] : f32 from vector<1xf32>
      %parallel_loop3A_140 = arith.subf %parallel_loop3A_137, %parallel_loop3A_133 : vector<16xf32>
      %parallel_loop3A_141 = vector.broadcast %parallel_loop3A_139 : f32 to vector<16xf32>
      %parallel_loop3A_142 = arith.mulf %parallel_loop3A_141, %parallel_loop3A_140 : vector<16xf32>
      %parallel_loop3A_143 = arith.addf %parallel_loop3A_133, %parallel_loop3A_142 : vector<16xf32>
      %parallel_loop3A_144 = arith.addf %parallel_loop3A_128, %parallel_loop3A_143 : vector<16xf32>
      %parallel_loop3A_145 = vector.extract_strided_slice %parallel_loop3A_48 {offsets = [6], sizes = [1], strides = [1]} : vector<16xi32> to vector<1xi32>
      %parallel_loop3A_146 = vector.extract %parallel_loop3A_145[0] : i32 from vector<1xi32>
      %parallel_loop3A_147 = vector.broadcast %parallel_loop3A_146 : i32 to vector<16xi32>
      %parallel_loop3A_148 = arith.addi %parallel_loop3A_147, %iota3A : vector<16xi32>
      %parallel_loop3A_149 = tpu.vector_load_idx %arg6[%parallel_loop3A_148] : memref<16384xf32, #tpu.memory_space<vmem>>[vector<16xi32>], vector<16xf32>,
      %parallel_loop3A_150 = arith.constant 16 : i32
      %parallel_loop3A_151 = vector.broadcast %parallel_loop3A_150 : i32 to vector<16xi32>
      %parallel_loop3A_152 = arith.addi %parallel_loop3A_148, %parallel_loop3A_151 : vector<16xi32>
      %parallel_loop3A_153 = tpu.vector_load_idx %arg6[%parallel_loop3A_152] : memref<16384xf32, #tpu.memory_space<vmem>>[vector<16xi32>], vector<16xf32>,
      %parallel_loop3A_154 = vector.extract_strided_slice %parallel_loop3A_44 {offsets = [6], sizes = [1], strides = [1]} : vector<16xf32> to vector<1xf32>
      %parallel_loop3A_155 = vector.extract %parallel_loop3A_154[0] : f32 from vector<1xf32>
      %parallel_loop3A_156 = arith.subf %parallel_loop3A_153, %parallel_loop3A_149 : vector<16xf32>
      %parallel_loop3A_157 = vector.broadcast %parallel_loop3A_155 : f32 to vector<16xf32>
      %parallel_loop3A_158 = arith.mulf %parallel_loop3A_157, %parallel_loop3A_156 : vector<16xf32>
      %parallel_loop3A_159 = arith.addf %parallel_loop3A_149, %parallel_loop3A_158 : vector<16xf32>
      %parallel_loop3A_160 = arith.addf %parallel_loop3A_144, %parallel_loop3A_159 : vector<16xf32>
      %parallel_loop3A_161 = vector.extract_strided_slice %parallel_loop3A_48 {offsets = [7], sizes = [1], strides = [1]} : vector<16xi32> to vector<1xi32>
      %parallel_loop3A_162 = vector.extract %parallel_loop3A_161[0] : i32 from vector<1xi32>
      %parallel_loop3A_163 = vector.broadcast %parallel_loop3A_162 : i32 to vector<16xi32>
      %parallel_loop3A_164 = arith.addi %parallel_loop3A_163, %iota3A : vector<16xi32>
      %parallel_loop3A_165 = tpu.vector_load_idx %arg6[%parallel_loop3A_164] : memref<16384xf32, #tpu.memory_space<vmem>>[vector<16xi32>], vector<16xf32>,
      %parallel_loop3A_166 = arith.constant 16 : i32
      %parallel_loop3A_167 = vector.broadcast %parallel_loop3A_166 : i32 to vector<16xi32>
      %parallel_loop3A_168 = arith.addi %parallel_loop3A_164, %parallel_loop3A_167 : vector<16xi32>
      %parallel_loop3A_169 = tpu.vector_load_idx %arg6[%parallel_loop3A_168] : memref<16384xf32, #tpu.memory_space<vmem>>[vector<16xi32>], vector<16xf32>,
      %parallel_loop3A_170 = vector.extract_strided_slice %parallel_loop3A_44 {offsets = [7], sizes = [1], strides = [1]} : vector<16xf32> to vector<1xf32>
      %parallel_loop3A_171 = vector.extract %parallel_loop3A_170[0] : f32 from vector<1xf32>
      %parallel_loop3A_172 = arith.subf %parallel_loop3A_169, %parallel_loop3A_165 : vector<16xf32>
      %parallel_loop3A_173 = vector.broadcast %parallel_loop3A_171 : f32 to vector<16xf32>
      %parallel_loop3A_174 = arith.mulf %parallel_loop3A_173, %parallel_loop3A_172 : vector<16xf32>
      %parallel_loop3A_175 = arith.addf %parallel_loop3A_165, %parallel_loop3A_174 : vector<16xf32>
      %parallel_loop3A_176 = arith.addf %parallel_loop3A_160, %parallel_loop3A_175 : vector<16xf32>
      %parallel_loop3A_177 = vector.extract_strided_slice %parallel_loop3A_48 {offsets = [8], sizes = [1], strides = [1]} : vector<16xi32> to vector<1xi32>
      %parallel_loop3A_178 = vector.extract %parallel_loop3A_177[0] : i32 from vector<1xi32>
      %parallel_loop3A_179 = vector.broadcast %parallel_loop3A_178 : i32 to vector<16xi32>
      %parallel_loop3A_180 = arith.addi %parallel_loop3A_179, %iota3A : vector<16xi32>
      %parallel_loop3A_181 = tpu.vector_load_idx %arg6[%parallel_loop3A_180] : memref<16384xf32, #tpu.memory_space<vmem>>[vector<16xi32>], vector<16xf32>,
      %parallel_loop3A_182 = arith.constant 16 : i32
      %parallel_loop3A_183 = vector.broadcast %parallel_loop3A_182 : i32 to vector<16xi32>
      %parallel_loop3A_184 = arith.addi %parallel_loop3A_180, %parallel_loop3A_183 : vector<16xi32>
      %parallel_loop3A_185 = tpu.vector_load_idx %arg6[%parallel_loop3A_184] : memref<16384xf32, #tpu.memory_space<vmem>>[vector<16xi32>], vector<16xf32>,
      %parallel_loop3A_186 = vector.extract_strided_slice %parallel_loop3A_44 {offsets = [8], sizes = [1], strides = [1]} : vector<16xf32> to vector<1xf32>
      %parallel_loop3A_187 = vector.extract %parallel_loop3A_186[0] : f32 from vector<1xf32>
      %parallel_loop3A_188 = arith.subf %parallel_loop3A_185, %parallel_loop3A_181 : vector<16xf32>
      %parallel_loop3A_189 = vector.broadcast %parallel_loop3A_187 : f32 to vector<16xf32>
      %parallel_loop3A_190 = arith.mulf %parallel_loop3A_189, %parallel_loop3A_188 : vector<16xf32>
      %parallel_loop3A_191 = arith.addf %parallel_loop3A_181, %parallel_loop3A_190 : vector<16xf32>
      %parallel_loop3A_192 = arith.addf %parallel_loop3A_176, %parallel_loop3A_191 : vector<16xf32>
      %parallel_loop3A_193 = vector.extract_strided_slice %parallel_loop3A_48 {offsets = [9], sizes = [1], strides = [1]} : vector<16xi32> to vector<1xi32>
      %parallel_loop3A_194 = vector.extract %parallel_loop3A_193[0] : i32 from vector<1xi32>
      %parallel_loop3A_195 = vector.broadcast %parallel_loop3A_194 : i32 to vector<16xi32>
      %parallel_loop3A_196 = arith.addi %parallel_loop3A_195, %iota3A : vector<16xi32>
      %parallel_loop3A_197 = tpu.vector_load_idx %arg6[%parallel_loop3A_196] : memref<16384xf32, #tpu.memory_space<vmem>>[vector<16xi32>], vector<16xf32>,
      %parallel_loop3A_198 = arith.constant 16 : i32
      %parallel_loop3A_199 = vector.broadcast %parallel_loop3A_198 : i32 to vector<16xi32>
      %parallel_loop3A_200 = arith.addi %parallel_loop3A_196, %parallel_loop3A_199 : vector<16xi32>
      %parallel_loop3A_201 = tpu.vector_load_idx %arg6[%parallel_loop3A_200] : memref<16384xf32, #tpu.memory_space<vmem>>[vector<16xi32>], vector<16xf32>,
      %parallel_loop3A_202 = vector.extract_strided_slice %parallel_loop3A_44 {offsets = [9], sizes = [1], strides = [1]} : vector<16xf32> to vector<1xf32>
      %parallel_loop3A_203 = vector.extract %parallel_loop3A_202[0] : f32 from vector<1xf32>
      %parallel_loop3A_204 = arith.subf %parallel_loop3A_201, %parallel_loop3A_197 : vector<16xf32>
      %parallel_loop3A_205 = vector.broadcast %parallel_loop3A_203 : f32 to vector<16xf32>
      %parallel_loop3A_206 = arith.mulf %parallel_loop3A_205, %parallel_loop3A_204 : vector<16xf32>
      %parallel_loop3A_207 = arith.addf %parallel_loop3A_197, %parallel_loop3A_206 : vector<16xf32>
      %parallel_loop3A_208 = arith.addf %parallel_loop3A_192, %parallel_loop3A_207 : vector<16xf32>
      %parallel_loop3A_209 = vector.extract_strided_slice %parallel_loop3A_48 {offsets = [10], sizes = [1], strides = [1]} : vector<16xi32> to vector<1xi32>
      %parallel_loop3A_210 = vector.extract %parallel_loop3A_209[0] : i32 from vector<1xi32>
      %parallel_loop3A_211 = vector.broadcast %parallel_loop3A_210 : i32 to vector<16xi32>
      %parallel_loop3A_212 = arith.addi %parallel_loop3A_211, %iota3A : vector<16xi32>
      %parallel_loop3A_213 = tpu.vector_load_idx %arg6[%parallel_loop3A_212] : memref<16384xf32, #tpu.memory_space<vmem>>[vector<16xi32>], vector<16xf32>,
      %parallel_loop3A_214 = arith.constant 16 : i32
      %parallel_loop3A_215 = vector.broadcast %parallel_loop3A_214 : i32 to vector<16xi32>
      %parallel_loop3A_216 = arith.addi %parallel_loop3A_212, %parallel_loop3A_215 : vector<16xi32>
      %parallel_loop3A_217 = tpu.vector_load_idx %arg6[%parallel_loop3A_216] : memref<16384xf32, #tpu.memory_space<vmem>>[vector<16xi32>], vector<16xf32>,
      %parallel_loop3A_218 = vector.extract_strided_slice %parallel_loop3A_44 {offsets = [10], sizes = [1], strides = [1]} : vector<16xf32> to vector<1xf32>
      %parallel_loop3A_219 = vector.extract %parallel_loop3A_218[0] : f32 from vector<1xf32>
      %parallel_loop3A_220 = arith.subf %parallel_loop3A_217, %parallel_loop3A_213 : vector<16xf32>
      %parallel_loop3A_221 = vector.broadcast %parallel_loop3A_219 : f32 to vector<16xf32>
      %parallel_loop3A_222 = arith.mulf %parallel_loop3A_221, %parallel_loop3A_220 : vector<16xf32>
      %parallel_loop3A_223 = arith.addf %parallel_loop3A_213, %parallel_loop3A_222 : vector<16xf32>
      %parallel_loop3A_224 = arith.addf %parallel_loop3A_208, %parallel_loop3A_223 : vector<16xf32>
      %parallel_loop3A_225 = vector.extract_strided_slice %parallel_loop3A_48 {offsets = [11], sizes = [1], strides = [1]} : vector<16xi32> to vector<1xi32>
      %parallel_loop3A_226 = vector.extract %parallel_loop3A_225[0] : i32 from vector<1xi32>
      %parallel_loop3A_227 = vector.broadcast %parallel_loop3A_226 : i32 to vector<16xi32>
      %parallel_loop3A_228 = arith.addi %parallel_loop3A_227, %iota3A : vector<16xi32>
      %parallel_loop3A_229 = tpu.vector_load_idx %arg6[%parallel_loop3A_228] : memref<16384xf32, #tpu.memory_space<vmem>>[vector<16xi32>], vector<16xf32>,
      %parallel_loop3A_230 = arith.constant 16 : i32
      %parallel_loop3A_231 = vector.broadcast %parallel_loop3A_230 : i32 to vector<16xi32>
      %parallel_loop3A_232 = arith.addi %parallel_loop3A_228, %parallel_loop3A_231 : vector<16xi32>
      %parallel_loop3A_233 = tpu.vector_load_idx %arg6[%parallel_loop3A_232] : memref<16384xf32, #tpu.memory_space<vmem>>[vector<16xi32>], vector<16xf32>,
      %parallel_loop3A_234 = vector.extract_strided_slice %parallel_loop3A_44 {offsets = [11], sizes = [1], strides = [1]} : vector<16xf32> to vector<1xf32>
      %parallel_loop3A_235 = vector.extract %parallel_loop3A_234[0] : f32 from vector<1xf32>
      %parallel_loop3A_236 = arith.subf %parallel_loop3A_233, %parallel_loop3A_229 : vector<16xf32>
      %parallel_loop3A_237 = vector.broadcast %parallel_loop3A_235 : f32 to vector<16xf32>
      %parallel_loop3A_238 = arith.mulf %parallel_loop3A_237, %parallel_loop3A_236 : vector<16xf32>
      %parallel_loop3A_239 = arith.addf %parallel_loop3A_229, %parallel_loop3A_238 : vector<16xf32>
      %parallel_loop3A_240 = arith.addf %parallel_loop3A_224, %parallel_loop3A_239 : vector<16xf32>
      %parallel_loop3A_241 = vector.extract_strided_slice %parallel_loop3A_48 {offsets = [12], sizes = [1], strides = [1]} : vector<16xi32> to vector<1xi32>
      %parallel_loop3A_242 = vector.extract %parallel_loop3A_241[0] : i32 from vector<1xi32>
      %parallel_loop3A_243 = vector.broadcast %parallel_loop3A_242 : i32 to vector<16xi32>
      %parallel_loop3A_244 = arith.addi %parallel_loop3A_243, %iota3A : vector<16xi32>
      %parallel_loop3A_245 = tpu.vector_load_idx %arg6[%parallel_loop3A_244] : memref<16384xf32, #tpu.memory_space<vmem>>[vector<16xi32>], vector<16xf32>,
      %parallel_loop3A_246 = arith.constant 16 : i32
      %parallel_loop3A_247 = vector.broadcast %parallel_loop3A_246 : i32 to vector<16xi32>
      %parallel_loop3A_248 = arith.addi %parallel_loop3A_244, %parallel_loop3A_247 : vector<16xi32>
      %parallel_loop3A_249 = tpu.vector_load_idx %arg6[%parallel_loop3A_248] : memref<16384xf32, #tpu.memory_space<vmem>>[vector<16xi32>], vector<16xf32>,
      %parallel_loop3A_250 = vector.extract_strided_slice %parallel_loop3A_44 {offsets = [12], sizes = [1], strides = [1]} : vector<16xf32> to vector<1xf32>
      %parallel_loop3A_251 = vector.extract %parallel_loop3A_250[0] : f32 from vector<1xf32>
      %parallel_loop3A_252 = arith.subf %parallel_loop3A_249, %parallel_loop3A_245 : vector<16xf32>
      %parallel_loop3A_253 = vector.broadcast %parallel_loop3A_251 : f32 to vector<16xf32>
      %parallel_loop3A_254 = arith.mulf %parallel_loop3A_253, %parallel_loop3A_252 : vector<16xf32>
      %parallel_loop3A_255 = arith.addf %parallel_loop3A_245, %parallel_loop3A_254 : vector<16xf32>
      %parallel_loop3A_256 = arith.addf %parallel_loop3A_240, %parallel_loop3A_255 : vector<16xf32>
      %parallel_loop3A_257 = vector.extract_strided_slice %parallel_loop3A_48 {offsets = [13], sizes = [1], strides = [1]} : vector<16xi32> to vector<1xi32>
      %parallel_loop3A_258 = vector.extract %parallel_loop3A_257[0] : i32 from vector<1xi32>
      %parallel_loop3A_259 = vector.broadcast %parallel_loop3A_258 : i32 to vector<16xi32>
      %parallel_loop3A_260 = arith.addi %parallel_loop3A_259, %iota3A : vector<16xi32>
      %parallel_loop3A_261 = tpu.vector_load_idx %arg6[%parallel_loop3A_260] : memref<16384xf32, #tpu.memory_space<vmem>>[vector<16xi32>], vector<16xf32>,
      %parallel_loop3A_262 = arith.constant 16 : i32
      %parallel_loop3A_263 = vector.broadcast %parallel_loop3A_262 : i32 to vector<16xi32>
      %parallel_loop3A_264 = arith.addi %parallel_loop3A_260, %parallel_loop3A_263 : vector<16xi32>
      %parallel_loop3A_265 = tpu.vector_load_idx %arg6[%parallel_loop3A_264] : memref<16384xf32, #tpu.memory_space<vmem>>[vector<16xi32>], vector<16xf32>,
      %parallel_loop3A_266 = vector.extract_strided_slice %parallel_loop3A_44 {offsets = [13], sizes = [1], strides = [1]} : vector<16xf32> to vector<1xf32>
      %parallel_loop3A_267 = vector.extract %parallel_loop3A_266[0] : f32 from vector<1xf32>
      %parallel_loop3A_268 = arith.subf %parallel_loop3A_265, %parallel_loop3A_261 : vector<16xf32>
      %parallel_loop3A_269 = vector.broadcast %parallel_loop3A_267 : f32 to vector<16xf32>
      %parallel_loop3A_270 = arith.mulf %parallel_loop3A_269, %parallel_loop3A_268 : vector<16xf32>
      %parallel_loop3A_271 = arith.addf %parallel_loop3A_261, %parallel_loop3A_270 : vector<16xf32>
      %parallel_loop3A_272 = arith.addf %parallel_loop3A_256, %parallel_loop3A_271 : vector<16xf32>
      %parallel_loop3A_273 = vector.extract_strided_slice %parallel_loop3A_48 {offsets = [14], sizes = [1], strides = [1]} : vector<16xi32> to vector<1xi32>
      %parallel_loop3A_274 = vector.extract %parallel_loop3A_273[0] : i32 from vector<1xi32>
      %parallel_loop3A_275 = vector.broadcast %parallel_loop3A_274 : i32 to vector<16xi32>
      %parallel_loop3A_276 = arith.addi %parallel_loop3A_275, %iota3A : vector<16xi32>
      %parallel_loop3A_277 = tpu.vector_load_idx %arg6[%parallel_loop3A_276] : memref<16384xf32, #tpu.memory_space<vmem>>[vector<16xi32>], vector<16xf32>,
      %parallel_loop3A_278 = arith.constant 16 : i32
      %parallel_loop3A_279 = vector.broadcast %parallel_loop3A_278 : i32 to vector<16xi32>
      %parallel_loop3A_280 = arith.addi %parallel_loop3A_276, %parallel_loop3A_279 : vector<16xi32>
      %parallel_loop3A_281 = tpu.vector_load_idx %arg6[%parallel_loop3A_280] : memref<16384xf32, #tpu.memory_space<vmem>>[vector<16xi32>], vector<16xf32>,
      %parallel_loop3A_282 = vector.extract_strided_slice %parallel_loop3A_44 {offsets = [14], sizes = [1], strides = [1]} : vector<16xf32> to vector<1xf32>
      %parallel_loop3A_283 = vector.extract %parallel_loop3A_282[0] : f32 from vector<1xf32>
      %parallel_loop3A_284 = arith.subf %parallel_loop3A_281, %parallel_loop3A_277 : vector<16xf32>
      %parallel_loop3A_285 = vector.broadcast %parallel_loop3A_283 : f32 to vector<16xf32>
      %parallel_loop3A_286 = arith.mulf %parallel_loop3A_285, %parallel_loop3A_284 : vector<16xf32>
      %parallel_loop3A_287 = arith.addf %parallel_loop3A_277, %parallel_loop3A_286 : vector<16xf32>
      %parallel_loop3A_288 = arith.addf %parallel_loop3A_272, %parallel_loop3A_287 : vector<16xf32>
      %parallel_loop3A_289 = vector.extract_strided_slice %parallel_loop3A_48 {offsets = [15], sizes = [1], strides = [1]} : vector<16xi32> to vector<1xi32>
      %parallel_loop3A_290 = vector.extract %parallel_loop3A_289[0] : i32 from vector<1xi32>
      %parallel_loop3A_291 = vector.broadcast %parallel_loop3A_290 : i32 to vector<16xi32>
      %parallel_loop3A_292 = arith.addi %parallel_loop3A_291, %iota3A : vector<16xi32>
      %parallel_loop3A_293 = tpu.vector_load_idx %arg6[%parallel_loop3A_292] : memref<16384xf32, #tpu.memory_space<vmem>>[vector<16xi32>], vector<16xf32>,
      %parallel_loop3A_294 = arith.constant 16 : i32
      %parallel_loop3A_295 = vector.broadcast %parallel_loop3A_294 : i32 to vector<16xi32>
      %parallel_loop3A_296 = arith.addi %parallel_loop3A_292, %parallel_loop3A_295 : vector<16xi32>
      %parallel_loop3A_297 = tpu.vector_load_idx %arg6[%parallel_loop3A_296] : memref<16384xf32, #tpu.memory_space<vmem>>[vector<16xi32>], vector<16xf32>,
      %parallel_loop3A_298 = vector.extract_strided_slice %parallel_loop3A_44 {offsets = [15], sizes = [1], strides = [1]} : vector<16xf32> to vector<1xf32>
      %parallel_loop3A_299 = vector.extract %parallel_loop3A_298[0] : f32 from vector<1xf32>
      %parallel_loop3A_300 = arith.subf %parallel_loop3A_297, %parallel_loop3A_293 : vector<16xf32>
      %parallel_loop3A_301 = vector.broadcast %parallel_loop3A_299 : f32 to vector<16xf32>
      %parallel_loop3A_302 = arith.mulf %parallel_loop3A_301, %parallel_loop3A_300 : vector<16xf32>
      %parallel_loop3A_303 = arith.addf %parallel_loop3A_293, %parallel_loop3A_302 : vector<16xf32>
      %parallel_loop3A_304 = arith.addf %parallel_loop3A_288, %parallel_loop3A_303 : vector<16xf32>
      %parallel_loop3A_305 = arith.constant 32 : i32
      %parallel_loop3A_306 = arith.muli %parallel_loop3A_22, %parallel_loop3A_305 : i32
      %parallel_loop3A_307 = arith.constant 16 : i32
      %parallel_loop3A_308 = arith.addi %parallel_loop3A_306, %parallel_loop3A_307 : i32
      %parallel_loop3A_309 = arith.index_cast %parallel_loop3A_308 : i32 to index
      %parallel_loop3A_310 = tpu.vector_load %arg5[%parallel_loop3A_309] {strides = array<i32>} : memref<2048xf32, #tpu.memory_space<vmem>>, vector<16xf32>,
      %parallel_loop3A_311 = arith.subf %parallel_loop3A_310, %broadcast_in_dim3A_3 : vector<16xf32>
      %parallel_loop3A_312 = arith.mulf %parallel_loop3A_311, %broadcast_in_dim3A_5 : vector<16xf32>
      %parallel_loop3A_313 = arith.constant 0.000000e+00 : f32
      %parallel_loop3A_314 = vector.broadcast %parallel_loop3A_313 : f32 to vector<16xf32>
      %parallel_loop3A_315 = arith.maximumf %parallel_loop3A_312, %parallel_loop3A_314 : vector<16xf32>
      %parallel_loop3A_316 = arith.constant 3.100000e+01 : f32
      %parallel_loop3A_317 = vector.broadcast %parallel_loop3A_316 : f32 to vector<16xf32>
      %parallel_loop3A_318 = arith.minimumf %parallel_loop3A_315, %parallel_loop3A_317 : vector<16xf32>
      %parallel_loop3A_319 = arith.fptosi %parallel_loop3A_318 : vector<16xf32> to vector<16xi32>
      %parallel_loop3A_320 = arith.constant 30 : i32
      %parallel_loop3A_321 = vector.broadcast %parallel_loop3A_320 : i32 to vector<16xi32>
      %parallel_loop3A_322 = arith.minsi %parallel_loop3A_319, %parallel_loop3A_321 : vector<16xi32>
      %parallel_loop3A_323 = arith.sitofp %parallel_loop3A_322 : vector<16xi32> to vector<16xf32>
      %parallel_loop3A_324 = arith.subf %parallel_loop3A_318, %parallel_loop3A_323 : vector<16xf32>
      %parallel_loop3A_325 = arith.constant 16 : i32
      %parallel_loop3A_326 = vector.broadcast %parallel_loop3A_325 : i32 to vector<16xi32>
      %parallel_loop3A_327 = arith.muli %parallel_loop3A_322, %parallel_loop3A_326 : vector<16xi32>
      %parallel_loop3A_328 = arith.addi %mul3A_17, %parallel_loop3A_327 : vector<16xi32>
      %parallel_loop3A_329 = vector.extract_strided_slice %parallel_loop3A_328 {offsets = [0], sizes = [1], strides = [1]} : vector<16xi32> to vector<1xi32>
      %parallel_loop3A_330 = vector.extract %parallel_loop3A_329[0] : i32 from vector<1xi32>
      %parallel_loop3A_331 = vector.broadcast %parallel_loop3A_330 : i32 to vector<16xi32>
      %parallel_loop3A_332 = arith.addi %parallel_loop3A_331, %iota3A : vector<16xi32>
      %parallel_loop3A_333 = tpu.vector_load_idx %arg6[%parallel_loop3A_332] : memref<16384xf32, #tpu.memory_space<vmem>>[vector<16xi32>], vector<16xf32>,
      %parallel_loop3A_334 = arith.constant 16 : i32
      %parallel_loop3A_335 = vector.broadcast %parallel_loop3A_334 : i32 to vector<16xi32>
      %parallel_loop3A_336 = arith.addi %parallel_loop3A_332, %parallel_loop3A_335 : vector<16xi32>
      %parallel_loop3A_337 = tpu.vector_load_idx %arg6[%parallel_loop3A_336] : memref<16384xf32, #tpu.memory_space<vmem>>[vector<16xi32>], vector<16xf32>,
      %parallel_loop3A_338 = vector.extract_strided_slice %parallel_loop3A_324 {offsets = [0], sizes = [1], strides = [1]} : vector<16xf32> to vector<1xf32>
      %parallel_loop3A_339 = vector.extract %parallel_loop3A_338[0] : f32 from vector<1xf32>
      %parallel_loop3A_340 = arith.subf %parallel_loop3A_337, %parallel_loop3A_333 : vector<16xf32>
      %parallel_loop3A_341 = vector.broadcast %parallel_loop3A_339 : f32 to vector<16xf32>
      %parallel_loop3A_342 = arith.mulf %parallel_loop3A_341, %parallel_loop3A_340 : vector<16xf32>
      %parallel_loop3A_343 = arith.addf %parallel_loop3A_333, %parallel_loop3A_342 : vector<16xf32>
      %parallel_loop3A_344 = arith.addf %parallel_loop3A_304, %parallel_loop3A_343 : vector<16xf32>
      %parallel_loop3A_345 = vector.extract_strided_slice %parallel_loop3A_328 {offsets = [1], sizes = [1], strides = [1]} : vector<16xi32> to vector<1xi32>
      %parallel_loop3A_346 = vector.extract %parallel_loop3A_345[0] : i32 from vector<1xi32>
      %parallel_loop3A_347 = vector.broadcast %parallel_loop3A_346 : i32 to vector<16xi32>
      %parallel_loop3A_348 = arith.addi %parallel_loop3A_347, %iota3A : vector<16xi32>
      %parallel_loop3A_349 = tpu.vector_load_idx %arg6[%parallel_loop3A_348] : memref<16384xf32, #tpu.memory_space<vmem>>[vector<16xi32>], vector<16xf32>,
      %parallel_loop3A_350 = arith.constant 16 : i32
      %parallel_loop3A_351 = vector.broadcast %parallel_loop3A_350 : i32 to vector<16xi32>
      %parallel_loop3A_352 = arith.addi %parallel_loop3A_348, %parallel_loop3A_351 : vector<16xi32>
      %parallel_loop3A_353 = tpu.vector_load_idx %arg6[%parallel_loop3A_352] : memref<16384xf32, #tpu.memory_space<vmem>>[vector<16xi32>], vector<16xf32>,
      %parallel_loop3A_354 = vector.extract_strided_slice %parallel_loop3A_324 {offsets = [1], sizes = [1], strides = [1]} : vector<16xf32> to vector<1xf32>
      %parallel_loop3A_355 = vector.extract %parallel_loop3A_354[0] : f32 from vector<1xf32>
      %parallel_loop3A_356 = arith.subf %parallel_loop3A_353, %parallel_loop3A_349 : vector<16xf32>
      %parallel_loop3A_357 = vector.broadcast %parallel_loop3A_355 : f32 to vector<16xf32>
      %parallel_loop3A_358 = arith.mulf %parallel_loop3A_357, %parallel_loop3A_356 : vector<16xf32>
      %parallel_loop3A_359 = arith.addf %parallel_loop3A_349, %parallel_loop3A_358 : vector<16xf32>
      %parallel_loop3A_360 = arith.addf %parallel_loop3A_344, %parallel_loop3A_359 : vector<16xf32>
      %parallel_loop3A_361 = vector.extract_strided_slice %parallel_loop3A_328 {offsets = [2], sizes = [1], strides = [1]} : vector<16xi32> to vector<1xi32>
      %parallel_loop3A_362 = vector.extract %parallel_loop3A_361[0] : i32 from vector<1xi32>
      %parallel_loop3A_363 = vector.broadcast %parallel_loop3A_362 : i32 to vector<16xi32>
      %parallel_loop3A_364 = arith.addi %parallel_loop3A_363, %iota3A : vector<16xi32>
      %parallel_loop3A_365 = tpu.vector_load_idx %arg6[%parallel_loop3A_364] : memref<16384xf32, #tpu.memory_space<vmem>>[vector<16xi32>], vector<16xf32>,
      %parallel_loop3A_366 = arith.constant 16 : i32
      %parallel_loop3A_367 = vector.broadcast %parallel_loop3A_366 : i32 to vector<16xi32>
      %parallel_loop3A_368 = arith.addi %parallel_loop3A_364, %parallel_loop3A_367 : vector<16xi32>
      %parallel_loop3A_369 = tpu.vector_load_idx %arg6[%parallel_loop3A_368] : memref<16384xf32, #tpu.memory_space<vmem>>[vector<16xi32>], vector<16xf32>,
      %parallel_loop3A_370 = vector.extract_strided_slice %parallel_loop3A_324 {offsets = [2], sizes = [1], strides = [1]} : vector<16xf32> to vector<1xf32>
      %parallel_loop3A_371 = vector.extract %parallel_loop3A_370[0] : f32 from vector<1xf32>
      %parallel_loop3A_372 = arith.subf %parallel_loop3A_369, %parallel_loop3A_365 : vector<16xf32>
      %parallel_loop3A_373 = vector.broadcast %parallel_loop3A_371 : f32 to vector<16xf32>
      %parallel_loop3A_374 = arith.mulf %parallel_loop3A_373, %parallel_loop3A_372 : vector<16xf32>
      %parallel_loop3A_375 = arith.addf %parallel_loop3A_365, %parallel_loop3A_374 : vector<16xf32>
      %parallel_loop3A_376 = arith.addf %parallel_loop3A_360, %parallel_loop3A_375 : vector<16xf32>
      %parallel_loop3A_377 = vector.extract_strided_slice %parallel_loop3A_328 {offsets = [3], sizes = [1], strides = [1]} : vector<16xi32> to vector<1xi32>
      %parallel_loop3A_378 = vector.extract %parallel_loop3A_377[0] : i32 from vector<1xi32>
      %parallel_loop3A_379 = vector.broadcast %parallel_loop3A_378 : i32 to vector<16xi32>
      %parallel_loop3A_380 = arith.addi %parallel_loop3A_379, %iota3A : vector<16xi32>
      %parallel_loop3A_381 = tpu.vector_load_idx %arg6[%parallel_loop3A_380] : memref<16384xf32, #tpu.memory_space<vmem>>[vector<16xi32>], vector<16xf32>,
      %parallel_loop3A_382 = arith.constant 16 : i32
      %parallel_loop3A_383 = vector.broadcast %parallel_loop3A_382 : i32 to vector<16xi32>
      %parallel_loop3A_384 = arith.addi %parallel_loop3A_380, %parallel_loop3A_383 : vector<16xi32>
      %parallel_loop3A_385 = tpu.vector_load_idx %arg6[%parallel_loop3A_384] : memref<16384xf32, #tpu.memory_space<vmem>>[vector<16xi32>], vector<16xf32>,
      %parallel_loop3A_386 = vector.extract_strided_slice %parallel_loop3A_324 {offsets = [3], sizes = [1], strides = [1]} : vector<16xf32> to vector<1xf32>
      %parallel_loop3A_387 = vector.extract %parallel_loop3A_386[0] : f32 from vector<1xf32>
      %parallel_loop3A_388 = arith.subf %parallel_loop3A_385, %parallel_loop3A_381 : vector<16xf32>
      %parallel_loop3A_389 = vector.broadcast %parallel_loop3A_387 : f32 to vector<16xf32>
      %parallel_loop3A_390 = arith.mulf %parallel_loop3A_389, %parallel_loop3A_388 : vector<16xf32>
      %parallel_loop3A_391 = arith.addf %parallel_loop3A_381, %parallel_loop3A_390 : vector<16xf32>
      %parallel_loop3A_392 = arith.addf %parallel_loop3A_376, %parallel_loop3A_391 : vector<16xf32>
      %parallel_loop3A_393 = vector.extract_strided_slice %parallel_loop3A_328 {offsets = [4], sizes = [1], strides = [1]} : vector<16xi32> to vector<1xi32>
      %parallel_loop3A_394 = vector.extract %parallel_loop3A_393[0] : i32 from vector<1xi32>
      %parallel_loop3A_395 = vector.broadcast %parallel_loop3A_394 : i32 to vector<16xi32>
      %parallel_loop3A_396 = arith.addi %parallel_loop3A_395, %iota3A : vector<16xi32>
      %parallel_loop3A_397 = tpu.vector_load_idx %arg6[%parallel_loop3A_396] : memref<16384xf32, #tpu.memory_space<vmem>>[vector<16xi32>], vector<16xf32>,
      %parallel_loop3A_398 = arith.constant 16 : i32
      %parallel_loop3A_399 = vector.broadcast %parallel_loop3A_398 : i32 to vector<16xi32>
      %parallel_loop3A_400 = arith.addi %parallel_loop3A_396, %parallel_loop3A_399 : vector<16xi32>
      %parallel_loop3A_401 = tpu.vector_load_idx %arg6[%parallel_loop3A_400] : memref<16384xf32, #tpu.memory_space<vmem>>[vector<16xi32>], vector<16xf32>,
      %parallel_loop3A_402 = vector.extract_strided_slice %parallel_loop3A_324 {offsets = [4], sizes = [1], strides = [1]} : vector<16xf32> to vector<1xf32>
      %parallel_loop3A_403 = vector.extract %parallel_loop3A_402[0] : f32 from vector<1xf32>
      %parallel_loop3A_404 = arith.subf %parallel_loop3A_401, %parallel_loop3A_397 : vector<16xf32>
      %parallel_loop3A_405 = vector.broadcast %parallel_loop3A_403 : f32 to vector<16xf32>
      %parallel_loop3A_406 = arith.mulf %parallel_loop3A_405, %parallel_loop3A_404 : vector<16xf32>
      %parallel_loop3A_407 = arith.addf %parallel_loop3A_397, %parallel_loop3A_406 : vector<16xf32>
      %parallel_loop3A_408 = arith.addf %parallel_loop3A_392, %parallel_loop3A_407 : vector<16xf32>
      %parallel_loop3A_409 = vector.extract_strided_slice %parallel_loop3A_328 {offsets = [5], sizes = [1], strides = [1]} : vector<16xi32> to vector<1xi32>
      %parallel_loop3A_410 = vector.extract %parallel_loop3A_409[0] : i32 from vector<1xi32>
      %parallel_loop3A_411 = vector.broadcast %parallel_loop3A_410 : i32 to vector<16xi32>
      %parallel_loop3A_412 = arith.addi %parallel_loop3A_411, %iota3A : vector<16xi32>
      %parallel_loop3A_413 = tpu.vector_load_idx %arg6[%parallel_loop3A_412] : memref<16384xf32, #tpu.memory_space<vmem>>[vector<16xi32>], vector<16xf32>,
      %parallel_loop3A_414 = arith.constant 16 : i32
      %parallel_loop3A_415 = vector.broadcast %parallel_loop3A_414 : i32 to vector<16xi32>
      %parallel_loop3A_416 = arith.addi %parallel_loop3A_412, %parallel_loop3A_415 : vector<16xi32>
      %parallel_loop3A_417 = tpu.vector_load_idx %arg6[%parallel_loop3A_416] : memref<16384xf32, #tpu.memory_space<vmem>>[vector<16xi32>], vector<16xf32>,
      %parallel_loop3A_418 = vector.extract_strided_slice %parallel_loop3A_324 {offsets = [5], sizes = [1], strides = [1]} : vector<16xf32> to vector<1xf32>
      %parallel_loop3A_419 = vector.extract %parallel_loop3A_418[0] : f32 from vector<1xf32>
      %parallel_loop3A_420 = arith.subf %parallel_loop3A_417, %parallel_loop3A_413 : vector<16xf32>
      %parallel_loop3A_421 = vector.broadcast %parallel_loop3A_419 : f32 to vector<16xf32>
      %parallel_loop3A_422 = arith.mulf %parallel_loop3A_421, %parallel_loop3A_420 : vector<16xf32>
      %parallel_loop3A_423 = arith.addf %parallel_loop3A_413, %parallel_loop3A_422 : vector<16xf32>
      %parallel_loop3A_424 = arith.addf %parallel_loop3A_408, %parallel_loop3A_423 : vector<16xf32>
      %parallel_loop3A_425 = vector.extract_strided_slice %parallel_loop3A_328 {offsets = [6], sizes = [1], strides = [1]} : vector<16xi32> to vector<1xi32>
      %parallel_loop3A_426 = vector.extract %parallel_loop3A_425[0] : i32 from vector<1xi32>
      %parallel_loop3A_427 = vector.broadcast %parallel_loop3A_426 : i32 to vector<16xi32>
      %parallel_loop3A_428 = arith.addi %parallel_loop3A_427, %iota3A : vector<16xi32>
      %parallel_loop3A_429 = tpu.vector_load_idx %arg6[%parallel_loop3A_428] : memref<16384xf32, #tpu.memory_space<vmem>>[vector<16xi32>], vector<16xf32>,
      %parallel_loop3A_430 = arith.constant 16 : i32
      %parallel_loop3A_431 = vector.broadcast %parallel_loop3A_430 : i32 to vector<16xi32>
      %parallel_loop3A_432 = arith.addi %parallel_loop3A_428, %parallel_loop3A_431 : vector<16xi32>
      %parallel_loop3A_433 = tpu.vector_load_idx %arg6[%parallel_loop3A_432] : memref<16384xf32, #tpu.memory_space<vmem>>[vector<16xi32>], vector<16xf32>,
      %parallel_loop3A_434 = vector.extract_strided_slice %parallel_loop3A_324 {offsets = [6], sizes = [1], strides = [1]} : vector<16xf32> to vector<1xf32>
      %parallel_loop3A_435 = vector.extract %parallel_loop3A_434[0] : f32 from vector<1xf32>
      %parallel_loop3A_436 = arith.subf %parallel_loop3A_433, %parallel_loop3A_429 : vector<16xf32>
      %parallel_loop3A_437 = vector.broadcast %parallel_loop3A_435 : f32 to vector<16xf32>
      %parallel_loop3A_438 = arith.mulf %parallel_loop3A_437, %parallel_loop3A_436 : vector<16xf32>
      %parallel_loop3A_439 = arith.addf %parallel_loop3A_429, %parallel_loop3A_438 : vector<16xf32>
      %parallel_loop3A_440 = arith.addf %parallel_loop3A_424, %parallel_loop3A_439 : vector<16xf32>
      %parallel_loop3A_441 = vector.extract_strided_slice %parallel_loop3A_328 {offsets = [7], sizes = [1], strides = [1]} : vector<16xi32> to vector<1xi32>
      %parallel_loop3A_442 = vector.extract %parallel_loop3A_441[0] : i32 from vector<1xi32>
      %parallel_loop3A_443 = vector.broadcast %parallel_loop3A_442 : i32 to vector<16xi32>
      %parallel_loop3A_444 = arith.addi %parallel_loop3A_443, %iota3A : vector<16xi32>
      %parallel_loop3A_445 = tpu.vector_load_idx %arg6[%parallel_loop3A_444] : memref<16384xf32, #tpu.memory_space<vmem>>[vector<16xi32>], vector<16xf32>,
      %parallel_loop3A_446 = arith.constant 16 : i32
      %parallel_loop3A_447 = vector.broadcast %parallel_loop3A_446 : i32 to vector<16xi32>
      %parallel_loop3A_448 = arith.addi %parallel_loop3A_444, %parallel_loop3A_447 : vector<16xi32>
      %parallel_loop3A_449 = tpu.vector_load_idx %arg6[%parallel_loop3A_448] : memref<16384xf32, #tpu.memory_space<vmem>>[vector<16xi32>], vector<16xf32>,
      %parallel_loop3A_450 = vector.extract_strided_slice %parallel_loop3A_324 {offsets = [7], sizes = [1], strides = [1]} : vector<16xf32> to vector<1xf32>
      %parallel_loop3A_451 = vector.extract %parallel_loop3A_450[0] : f32 from vector<1xf32>
      %parallel_loop3A_452 = arith.subf %parallel_loop3A_449, %parallel_loop3A_445 : vector<16xf32>
      %parallel_loop3A_453 = vector.broadcast %parallel_loop3A_451 : f32 to vector<16xf32>
      %parallel_loop3A_454 = arith.mulf %parallel_loop3A_453, %parallel_loop3A_452 : vector<16xf32>
      %parallel_loop3A_455 = arith.addf %parallel_loop3A_445, %parallel_loop3A_454 : vector<16xf32>
      %parallel_loop3A_456 = arith.addf %parallel_loop3A_440, %parallel_loop3A_455 : vector<16xf32>
      %parallel_loop3A_457 = vector.extract_strided_slice %parallel_loop3A_328 {offsets = [8], sizes = [1], strides = [1]} : vector<16xi32> to vector<1xi32>
      %parallel_loop3A_458 = vector.extract %parallel_loop3A_457[0] : i32 from vector<1xi32>
      %parallel_loop3A_459 = vector.broadcast %parallel_loop3A_458 : i32 to vector<16xi32>
      %parallel_loop3A_460 = arith.addi %parallel_loop3A_459, %iota3A : vector<16xi32>
      %parallel_loop3A_461 = tpu.vector_load_idx %arg6[%parallel_loop3A_460] : memref<16384xf32, #tpu.memory_space<vmem>>[vector<16xi32>], vector<16xf32>,
      %parallel_loop3A_462 = arith.constant 16 : i32
      %parallel_loop3A_463 = vector.broadcast %parallel_loop3A_462 : i32 to vector<16xi32>
      %parallel_loop3A_464 = arith.addi %parallel_loop3A_460, %parallel_loop3A_463 : vector<16xi32>
      %parallel_loop3A_465 = tpu.vector_load_idx %arg6[%parallel_loop3A_464] : memref<16384xf32, #tpu.memory_space<vmem>>[vector<16xi32>], vector<16xf32>,
      %parallel_loop3A_466 = vector.extract_strided_slice %parallel_loop3A_324 {offsets = [8], sizes = [1], strides = [1]} : vector<16xf32> to vector<1xf32>
      %parallel_loop3A_467 = vector.extract %parallel_loop3A_466[0] : f32 from vector<1xf32>
      %parallel_loop3A_468 = arith.subf %parallel_loop3A_465, %parallel_loop3A_461 : vector<16xf32>
      %parallel_loop3A_469 = vector.broadcast %parallel_loop3A_467 : f32 to vector<16xf32>
      %parallel_loop3A_470 = arith.mulf %parallel_loop3A_469, %parallel_loop3A_468 : vector<16xf32>
      %parallel_loop3A_471 = arith.addf %parallel_loop3A_461, %parallel_loop3A_470 : vector<16xf32>
      %parallel_loop3A_472 = arith.addf %parallel_loop3A_456, %parallel_loop3A_471 : vector<16xf32>
      %parallel_loop3A_473 = vector.extract_strided_slice %parallel_loop3A_328 {offsets = [9], sizes = [1], strides = [1]} : vector<16xi32> to vector<1xi32>
      %parallel_loop3A_474 = vector.extract %parallel_loop3A_473[0] : i32 from vector<1xi32>
      %parallel_loop3A_475 = vector.broadcast %parallel_loop3A_474 : i32 to vector<16xi32>
      %parallel_loop3A_476 = arith.addi %parallel_loop3A_475, %iota3A : vector<16xi32>
      %parallel_loop3A_477 = tpu.vector_load_idx %arg6[%parallel_loop3A_476] : memref<16384xf32, #tpu.memory_space<vmem>>[vector<16xi32>], vector<16xf32>,
      %parallel_loop3A_478 = arith.constant 16 : i32
      %parallel_loop3A_479 = vector.broadcast %parallel_loop3A_478 : i32 to vector<16xi32>
      %parallel_loop3A_480 = arith.addi %parallel_loop3A_476, %parallel_loop3A_479 : vector<16xi32>
      %parallel_loop3A_481 = tpu.vector_load_idx %arg6[%parallel_loop3A_480] : memref<16384xf32, #tpu.memory_space<vmem>>[vector<16xi32>], vector<16xf32>,
      %parallel_loop3A_482 = vector.extract_strided_slice %parallel_loop3A_324 {offsets = [9], sizes = [1], strides = [1]} : vector<16xf32> to vector<1xf32>
      %parallel_loop3A_483 = vector.extract %parallel_loop3A_482[0] : f32 from vector<1xf32>
      %parallel_loop3A_484 = arith.subf %parallel_loop3A_481, %parallel_loop3A_477 : vector<16xf32>
      %parallel_loop3A_485 = vector.broadcast %parallel_loop3A_483 : f32 to vector<16xf32>
      %parallel_loop3A_486 = arith.mulf %parallel_loop3A_485, %parallel_loop3A_484 : vector<16xf32>
      %parallel_loop3A_487 = arith.addf %parallel_loop3A_477, %parallel_loop3A_486 : vector<16xf32>
      %parallel_loop3A_488 = arith.addf %parallel_loop3A_472, %parallel_loop3A_487 : vector<16xf32>
      %parallel_loop3A_489 = vector.extract_strided_slice %parallel_loop3A_328 {offsets = [10], sizes = [1], strides = [1]} : vector<16xi32> to vector<1xi32>
      %parallel_loop3A_490 = vector.extract %parallel_loop3A_489[0] : i32 from vector<1xi32>
      %parallel_loop3A_491 = vector.broadcast %parallel_loop3A_490 : i32 to vector<16xi32>
      %parallel_loop3A_492 = arith.addi %parallel_loop3A_491, %iota3A : vector<16xi32>
      %parallel_loop3A_493 = tpu.vector_load_idx %arg6[%parallel_loop3A_492] : memref<16384xf32, #tpu.memory_space<vmem>>[vector<16xi32>], vector<16xf32>,
      %parallel_loop3A_494 = arith.constant 16 : i32
      %parallel_loop3A_495 = vector.broadcast %parallel_loop3A_494 : i32 to vector<16xi32>
      %parallel_loop3A_496 = arith.addi %parallel_loop3A_492, %parallel_loop3A_495 : vector<16xi32>
      %parallel_loop3A_497 = tpu.vector_load_idx %arg6[%parallel_loop3A_496] : memref<16384xf32, #tpu.memory_space<vmem>>[vector<16xi32>], vector<16xf32>,
      %parallel_loop3A_498 = vector.extract_strided_slice %parallel_loop3A_324 {offsets = [10], sizes = [1], strides = [1]} : vector<16xf32> to vector<1xf32>
      %parallel_loop3A_499 = vector.extract %parallel_loop3A_498[0] : f32 from vector<1xf32>
      %parallel_loop3A_500 = arith.subf %parallel_loop3A_497, %parallel_loop3A_493 : vector<16xf32>
      %parallel_loop3A_501 = vector.broadcast %parallel_loop3A_499 : f32 to vector<16xf32>
      %parallel_loop3A_502 = arith.mulf %parallel_loop3A_501, %parallel_loop3A_500 : vector<16xf32>
      %parallel_loop3A_503 = arith.addf %parallel_loop3A_493, %parallel_loop3A_502 : vector<16xf32>
      %parallel_loop3A_504 = arith.addf %parallel_loop3A_488, %parallel_loop3A_503 : vector<16xf32>
      %parallel_loop3A_505 = vector.extract_strided_slice %parallel_loop3A_328 {offsets = [11], sizes = [1], strides = [1]} : vector<16xi32> to vector<1xi32>
      %parallel_loop3A_506 = vector.extract %parallel_loop3A_505[0] : i32 from vector<1xi32>
      %parallel_loop3A_507 = vector.broadcast %parallel_loop3A_506 : i32 to vector<16xi32>
      %parallel_loop3A_508 = arith.addi %parallel_loop3A_507, %iota3A : vector<16xi32>
      %parallel_loop3A_509 = tpu.vector_load_idx %arg6[%parallel_loop3A_508] : memref<16384xf32, #tpu.memory_space<vmem>>[vector<16xi32>], vector<16xf32>,
      %parallel_loop3A_510 = arith.constant 16 : i32
      %parallel_loop3A_511 = vector.broadcast %parallel_loop3A_510 : i32 to vector<16xi32>
      %parallel_loop3A_512 = arith.addi %parallel_loop3A_508, %parallel_loop3A_511 : vector<16xi32>
      %parallel_loop3A_513 = tpu.vector_load_idx %arg6[%parallel_loop3A_512] : memref<16384xf32, #tpu.memory_space<vmem>>[vector<16xi32>], vector<16xf32>,
      %parallel_loop3A_514 = vector.extract_strided_slice %parallel_loop3A_324 {offsets = [11], sizes = [1], strides = [1]} : vector<16xf32> to vector<1xf32>
      %parallel_loop3A_515 = vector.extract %parallel_loop3A_514[0] : f32 from vector<1xf32>
      %parallel_loop3A_516 = arith.subf %parallel_loop3A_513, %parallel_loop3A_509 : vector<16xf32>
      %parallel_loop3A_517 = vector.broadcast %parallel_loop3A_515 : f32 to vector<16xf32>
      %parallel_loop3A_518 = arith.mulf %parallel_loop3A_517, %parallel_loop3A_516 : vector<16xf32>
      %parallel_loop3A_519 = arith.addf %parallel_loop3A_509, %parallel_loop3A_518 : vector<16xf32>
      %parallel_loop3A_520 = arith.addf %parallel_loop3A_504, %parallel_loop3A_519 : vector<16xf32>
      %parallel_loop3A_521 = vector.extract_strided_slice %parallel_loop3A_328 {offsets = [12], sizes = [1], strides = [1]} : vector<16xi32> to vector<1xi32>
      %parallel_loop3A_522 = vector.extract %parallel_loop3A_521[0] : i32 from vector<1xi32>
      %parallel_loop3A_523 = vector.broadcast %parallel_loop3A_522 : i32 to vector<16xi32>
      %parallel_loop3A_524 = arith.addi %parallel_loop3A_523, %iota3A : vector<16xi32>
      %parallel_loop3A_525 = tpu.vector_load_idx %arg6[%parallel_loop3A_524] : memref<16384xf32, #tpu.memory_space<vmem>>[vector<16xi32>], vector<16xf32>,
      %parallel_loop3A_526 = arith.constant 16 : i32
      %parallel_loop3A_527 = vector.broadcast %parallel_loop3A_526 : i32 to vector<16xi32>
      %parallel_loop3A_528 = arith.addi %parallel_loop3A_524, %parallel_loop3A_527 : vector<16xi32>
      %parallel_loop3A_529 = tpu.vector_load_idx %arg6[%parallel_loop3A_528] : memref<16384xf32, #tpu.memory_space<vmem>>[vector<16xi32>], vector<16xf32>,
      %parallel_loop3A_530 = vector.extract_strided_slice %parallel_loop3A_324 {offsets = [12], sizes = [1], strides = [1]} : vector<16xf32> to vector<1xf32>
      %parallel_loop3A_531 = vector.extract %parallel_loop3A_530[0] : f32 from vector<1xf32>
      %parallel_loop3A_532 = arith.subf %parallel_loop3A_529, %parallel_loop3A_525 : vector<16xf32>
      %parallel_loop3A_533 = vector.broadcast %parallel_loop3A_531 : f32 to vector<16xf32>
      %parallel_loop3A_534 = arith.mulf %parallel_loop3A_533, %parallel_loop3A_532 : vector<16xf32>
      %parallel_loop3A_535 = arith.addf %parallel_loop3A_525, %parallel_loop3A_534 : vector<16xf32>
      %parallel_loop3A_536 = arith.addf %parallel_loop3A_520, %parallel_loop3A_535 : vector<16xf32>
      %parallel_loop3A_537 = vector.extract_strided_slice %parallel_loop3A_328 {offsets = [13], sizes = [1], strides = [1]} : vector<16xi32> to vector<1xi32>
      %parallel_loop3A_538 = vector.extract %parallel_loop3A_537[0] : i32 from vector<1xi32>
      %parallel_loop3A_539 = vector.broadcast %parallel_loop3A_538 : i32 to vector<16xi32>
      %parallel_loop3A_540 = arith.addi %parallel_loop3A_539, %iota3A : vector<16xi32>
      %parallel_loop3A_541 = tpu.vector_load_idx %arg6[%parallel_loop3A_540] : memref<16384xf32, #tpu.memory_space<vmem>>[vector<16xi32>], vector<16xf32>,
      %parallel_loop3A_542 = arith.constant 16 : i32
      %parallel_loop3A_543 = vector.broadcast %parallel_loop3A_542 : i32 to vector<16xi32>
      %parallel_loop3A_544 = arith.addi %parallel_loop3A_540, %parallel_loop3A_543 : vector<16xi32>
      %parallel_loop3A_545 = tpu.vector_load_idx %arg6[%parallel_loop3A_544] : memref<16384xf32, #tpu.memory_space<vmem>>[vector<16xi32>], vector<16xf32>,
      %parallel_loop3A_546 = vector.extract_strided_slice %parallel_loop3A_324 {offsets = [13], sizes = [1], strides = [1]} : vector<16xf32> to vector<1xf32>
      %parallel_loop3A_547 = vector.extract %parallel_loop3A_546[0] : f32 from vector<1xf32>
      %parallel_loop3A_548 = arith.subf %parallel_loop3A_545, %parallel_loop3A_541 : vector<16xf32>
      %parallel_loop3A_549 = vector.broadcast %parallel_loop3A_547 : f32 to vector<16xf32>
      %parallel_loop3A_550 = arith.mulf %parallel_loop3A_549, %parallel_loop3A_548 : vector<16xf32>
      %parallel_loop3A_551 = arith.addf %parallel_loop3A_541, %parallel_loop3A_550 : vector<16xf32>
      %parallel_loop3A_552 = arith.addf %parallel_loop3A_536, %parallel_loop3A_551 : vector<16xf32>
      %parallel_loop3A_553 = vector.extract_strided_slice %parallel_loop3A_328 {offsets = [14], sizes = [1], strides = [1]} : vector<16xi32> to vector<1xi32>
      %parallel_loop3A_554 = vector.extract %parallel_loop3A_553[0] : i32 from vector<1xi32>
      %parallel_loop3A_555 = vector.broadcast %parallel_loop3A_554 : i32 to vector<16xi32>
      %parallel_loop3A_556 = arith.addi %parallel_loop3A_555, %iota3A : vector<16xi32>
      %parallel_loop3A_557 = tpu.vector_load_idx %arg6[%parallel_loop3A_556] : memref<16384xf32, #tpu.memory_space<vmem>>[vector<16xi32>], vector<16xf32>,
      %parallel_loop3A_558 = arith.constant 16 : i32
      %parallel_loop3A_559 = vector.broadcast %parallel_loop3A_558 : i32 to vector<16xi32>
      %parallel_loop3A_560 = arith.addi %parallel_loop3A_556, %parallel_loop3A_559 : vector<16xi32>
      %parallel_loop3A_561 = tpu.vector_load_idx %arg6[%parallel_loop3A_560] : memref<16384xf32, #tpu.memory_space<vmem>>[vector<16xi32>], vector<16xf32>,
      %parallel_loop3A_562 = vector.extract_strided_slice %parallel_loop3A_324 {offsets = [14], sizes = [1], strides = [1]} : vector<16xf32> to vector<1xf32>
      %parallel_loop3A_563 = vector.extract %parallel_loop3A_562[0] : f32 from vector<1xf32>
      %parallel_loop3A_564 = arith.subf %parallel_loop3A_561, %parallel_loop3A_557 : vector<16xf32>
      %parallel_loop3A_565 = vector.broadcast %parallel_loop3A_563 : f32 to vector<16xf32>
      %parallel_loop3A_566 = arith.mulf %parallel_loop3A_565, %parallel_loop3A_564 : vector<16xf32>
      %parallel_loop3A_567 = arith.addf %parallel_loop3A_557, %parallel_loop3A_566 : vector<16xf32>
      %parallel_loop3A_568 = arith.addf %parallel_loop3A_552, %parallel_loop3A_567 : vector<16xf32>
      %parallel_loop3A_569 = vector.extract_strided_slice %parallel_loop3A_328 {offsets = [15], sizes = [1], strides = [1]} : vector<16xi32> to vector<1xi32>
      %parallel_loop3A_570 = vector.extract %parallel_loop3A_569[0] : i32 from vector<1xi32>
      %parallel_loop3A_571 = vector.broadcast %parallel_loop3A_570 : i32 to vector<16xi32>
      %parallel_loop3A_572 = arith.addi %parallel_loop3A_571, %iota3A : vector<16xi32>
      %parallel_loop3A_573 = tpu.vector_load_idx %arg6[%parallel_loop3A_572] : memref<16384xf32, #tpu.memory_space<vmem>>[vector<16xi32>], vector<16xf32>,
      %parallel_loop3A_574 = arith.constant 16 : i32
      %parallel_loop3A_575 = vector.broadcast %parallel_loop3A_574 : i32 to vector<16xi32>
      %parallel_loop3A_576 = arith.addi %parallel_loop3A_572, %parallel_loop3A_575 : vector<16xi32>
      %parallel_loop3A_577 = tpu.vector_load_idx %arg6[%parallel_loop3A_576] : memref<16384xf32, #tpu.memory_space<vmem>>[vector<16xi32>], vector<16xf32>,
      %parallel_loop3A_578 = vector.extract_strided_slice %parallel_loop3A_324 {offsets = [15], sizes = [1], strides = [1]} : vector<16xf32> to vector<1xf32>
      %parallel_loop3A_579 = vector.extract %parallel_loop3A_578[0] : f32 from vector<1xf32>
      %parallel_loop3A_580 = arith.subf %parallel_loop3A_577, %parallel_loop3A_573 : vector<16xf32>
      %parallel_loop3A_581 = vector.broadcast %parallel_loop3A_579 : f32 to vector<16xf32>
      %parallel_loop3A_582 = arith.mulf %parallel_loop3A_581, %parallel_loop3A_580 : vector<16xf32>
      %parallel_loop3A_583 = arith.addf %parallel_loop3A_573, %parallel_loop3A_582 : vector<16xf32>
      %parallel_loop3A_584 = arith.addf %parallel_loop3A_568, %parallel_loop3A_583 : vector<16xf32>
      %parallel_loop3A_585 = arith.constant 16 : i32
      %parallel_loop3A_586 = arith.muli %parallel_loop3A_22, %parallel_loop3A_585 : i32
      %parallel_loop3A_587 = arith.index_cast %parallel_loop3A_586 : i32 to index
      %parallel_loop3A_588 = tpu.vector_load %arg7[%parallel_loop3A_587] {strides = array<i32>} : memref<1024xf32, #tpu.memory_space<vmem>>, vector<16xf32>,
      tpu.vector_store %arg7[%parallel_loop3A_587], %parallel_loop3A_584 {strides = array<i32>} : memref<1024xf32, #tpu.memory_space<vmem>>, vector<16xf32>,
    } {sc.loop_unroll_factor = 2 : i64, sc.parallel_access}
    %mul3A_20 = arith.constant 1024 : i32
    %mul3A_21 = arith.muli %add3A, %mul3A_20 : i32
    "tpu.region"() ({
      %run_scoped3A = tpu.sem_alloc : memref<!tpu.dma_semaphore, #tpu.memory_space<semaphore_mem>>
      %dma_start3A = tpu.memref_slice %arg4[%mul3A_21] : memref<32768xf32, #tpu.memory_space<hbm>> -> memref<1024xf32, #tpu.memory_space<hbm>>
      %dma_start3A_22 = tpu.memref_slice %arg4[%mul3A_21] : memref<32768xf32, #tpu.memory_space<hbm>> -> memref<1024xf32, #tpu.memory_space<hbm>>
      tpu.enqueue_dma source(%arg7 : memref<1024xf32, #tpu.memory_space<vmem>>) target(%dma_start3A_22 : memref<1024xf32, #tpu.memory_space<hbm>>) target_semaphore(%run_scoped3A : memref<!tpu.dma_semaphore, #tpu.memory_space<semaphore_mem>>)
      %dma_wait3A = tpu.memref_slice %arg4[%mul3A_21] : memref<32768xf32, #tpu.memory_space<hbm>> -> memref<1024xf32, #tpu.memory_space<hbm>>
      %dma_wait3A_23 = tpu.memref_slice %arg4[%mul3A_21] : memref<32768xf32, #tpu.memory_space<hbm>> -> memref<1024xf32, #tpu.memory_space<hbm>>
      tpu.wait_dma2 semaphore(%run_scoped3A : memref<!tpu.dma_semaphore, #tpu.memory_space<semaphore_mem>>) src(%arg7 : memref<1024xf32, #tpu.memory_space<vmem>>) dst(%dma_wait3A_23 : memref<1024xf32, #tpu.memory_space<hbm>>)
      tpu.yield
    }) : () -> ()
    return
  }
}

</mosaic_0001>

<sc_bundles>
// kernel: kernel.3.cloned.1.call-start
scs
__scs_entry_jumppad:
0x0: {  	(pc) =	sbr.rel $0x88, $3  }
0x1: {  	(tag) =	ssettag $0x0;
	lr =	simm.s32 $0x1  }
0x2: {  	[smem:$0x3F9F] =	sst lr;
	_ =	strace $0xD0000000  }
0x3: {  	_ = 	snop  }
0x4: {  	_ = 	snop  }
0x5: {  	_ = 	snop  }
0x6: {  	_ = 	snop  }
0x7: {  	_ = 	snop  }
__scs_overlays_trampoline_lowered:
0x8: {  	[smem:$0x3FAE] =	sst s0  }
0x9: {  	[smem:$0x3FAF] =	sst s1  }
0xa: {  	[smem:$0x3FB0] =	sst s2  }
0xb: {  	[smem:$0x3FB1] =	sst s3  }
0xc: {  	[smem:$0x3FB2] =	sst s4  }
0xd: {  	[smem:$0x3FB3] =	sst s5  }
0xe: {  	[smem:$0x3FB4] =	sst s6  }
0xf: {  	[smem:$0x3FB5] =	sst s7  }
0x10: {  	[smem:$0x3FB6] =	sst s8  }
0x11: {  	[smem:$0x3FB7] =	sst s9;
	s0 =	simm.s32 @!p0 $0x0  }
0x12: {  	s1 =	sld [smem:$0x3F9D];
	s0 =	simm.s32 @p0 $0x1  }
0x13: {  	[smem:$0x3FB8] =	sst s0;
	s0 =	simm.s32 @!p1 $0x0  }
0x14: {  	s2 =	sld [smem:$0x3F9C];
	s0 =	simm.s32 @p1 $0x1  }
0x15: {  	[smem:$0x3FB9] =	sst s0;
	s0 =	simm.s32 @!p2 $0x0  }
0x16: {  	s3 =	sld [smem:$0x3FDB];
	s0 =	simm.s32 @p2 $0x1  }
0x17: {  	s4 =	simm.s32 $0x1BF5;
	[smem:$0x3FBB] =	sst s0  }
0x18: {  	s0 =	sld [smem:$0x3F9E];
	_ =	swait.ge [sflag:s4], $0x0  }
0x19: {  	s7 =	sld [smem:$0x3F9F]  }
0x1a: {  	s8 =	sadd.s32 $0xFFFFE003, lr  }
0x1b: {  	s9 =	sadd.s32 $0xFFFFFEF7, lr;
	s5 =	simm.s32 $0xFFFFFFFF;
	p2 =	slt.u32 s8, $0xFFFFF086  }
0x1c: {  	p1 =	slt.u32 s9, $0xF7A;
	s5 =	simm.s32 @!p2 $0x0  }
0x1d: {  	s5 =	simm.s32 @p1 $0x1;
	p0 =	seq.s32 s7, s2  }
0x1e: {  	s7 =	smul.u32 @!p0 $0xF7A, s2;
	p2 =	seq.s32 @!p0 s5, $0x0  }
0x1f: {  	s9 =	smul.u32 $0xF7A, s1;
	s8 =	simm.s32 @!p0 $0x1BF5;
	p2 =	por !p2, p0  }
0x20: {  	[sflag:s8] =	ssyncset.s32 @!p0 $0xFFFFF086;
	s6 =	sadd.s32 @!p0 s3, s7;
	s7 =	simm.s32 @!p0 $0x108  }
0x21: {  	s3 =	sadd.s32 s3, s9;
	s6 =	sadd.s32 @!p0 $0x88, s6;
	s7 =	simm.s32 @p2 $0x1082  }
0x22: {  	[simem:s7], [sflag:s8] =	dma.local @!p0 [hbm:s6], $0xF7A  }
0x23: {  	s9 =	sor.u32 $0xD0000000, s2;
	s6 =	simm.s32 $0x108;
	_ =	swait.ge @!p0 [sflag:s8], $0x0  }
0x24: {  	s3 =	sadd.s32 $0x88, s3;
	s6 =	simm.s32 @!p1 $0x1082;
	[sflag:s4] =	ssyncset.s32 $0xFFFFF086  }
0x25: {  	[simem:s6], [sflag:s4] =	dma.local [hbm:s3], $0xF7A  }
0x26: {  	[smem:$0x3F9F] =	sst s1;
	(tag) =	ssettag s2;
	_ =	strace s9  }
0x27: {  	s1 =	sld [smem:$0x3FAF]  }
0x28: {  	s2 =	sld [smem:$0x3FB0]  }
0x29: {  	s4 =	sld [smem:$0x3FB2]  }
0x2a: {  	p0 =	seq.s32 s5, $0x0;
	s5 =	sld [smem:$0x3FB3]  }
0x2b: {  	s6 =	sld [smem:$0x3FB4]  }
0x2c: {  	s7 =	sld [smem:$0x3FB5]  }
0x2d: {  	s3 =	simm.s32 $0x108;
	s8 =	sld [smem:$0x3FB6]  }
0x2e: {  	s3 =	simm.s32 @!p0 $0x1082;
	s9 =	sld [smem:$0x3FB7]  }
0x2f: {  	lr =	sadd.s32 s0, s3;
	s0 =	sld [smem:$0x3FAE]  }
0x30: {  	s3 =	sld [smem:$0x3FB1]  }
0x31: {  	[smem:$0x3FBA] =	sst s10  }
0x32: {  	s10 =	sld [smem:$0x3FB8];
	_ =	sdelay $0x3  }
0x33: {  	p0 =	seq.s32 s10, $0x1;
	s10 =	sld [smem:$0x3FBA];
	_ =	sdelay $0x3  }
0x34: {  	[smem:$0x3FBA] =	sst s10  }
0x35: {  	s10 =	sld [smem:$0x3FB9];
	_ =	sdelay $0x3  }
0x36: {  	p1 =	seq.s32 s10, $0x1;
	s10 =	sld [smem:$0x3FBA];
	_ =	sdelay $0x3  }
0x37: {  	[smem:$0x3FBA] =	sst s10  }
0x38: {  	s10 =	sld [smem:$0x3FBB]  }
0x39: {  	_ = 	snop;
	(pc) =	sbr.ind lr, $3  }
0x3a: {  	_ = 	snop  }
0x3b: {  	_ = 	snop  }
0x3c: {  	p2 =	seq.s32 s10, $0x1;
	s10 =	sld [smem:$0x3FBA]  }
0x3d: {  	_ =	shalt  }
0x3e: {  	_ =	shalt  }
0x3f: {  	_ =	shalt  }
0x40: {  	_ =	shalt  }
0x41: {  	_ =	shalt  }
0x42: {  	_ =	shalt  }
0x43: {  	_ =	shalt  }
0x44: {  	_ =	shalt  }
0x45: {  	_ =	shalt  }
0x46: {  	_ =	shalt  }
0x47: {  	_ =	shalt  }
0x48: {  	_ =	shalt  }
0x49: {  	_ =	shalt  }
0x4a: {  	_ =	shalt  }
0x4b: {  	_ =	shalt  }
0x4c: {  	_ =	shalt  }
0x4d: {  	_ =	shalt  }
0x4e: {  	_ =	shalt  }
0x4f: {  	_ =	shalt  }
0x50: {  	_ =	shalt  }
0x51: {  	_ =	shalt  }
0x52: {  	_ =	shalt  }
0x53: {  	_ =	shalt  }
0x54: {  	_ =	shalt  }
0x55: {  	_ =	shalt  }
0x56: {  	_ =	shalt  }
0x57: {  	_ =	shalt  }
0x58: {  	_ =	shalt  }
0x59: {  	_ =	shalt  }
0x5a: {  	_ =	shalt  }
0x5b: {  	_ =	shalt  }
0x5c: {  	_ =	shalt  }
0x5d: {  	_ =	shalt  }
0x5e: {  	_ =	shalt  }
0x5f: {  	_ =	shalt  }
0x60: {  	_ =	shalt  }
0x61: {  	_ =	shalt  }
0x62: {  	_ =	shalt  }
0x63: {  	_ =	shalt  }
0x64: {  	_ =	shalt  }
0x65: {  	_ =	shalt  }
0x66: {  	_ =	shalt  }
0x67: {  	_ =	shalt  }
0x68: {  	_ =	shalt  }
0x69: {  	_ =	shalt  }
0x6a: {  	_ =	shalt  }
0x6b: {  	_ =	shalt  }
0x6c: {  	_ =	shalt  }
0x6d: {  	_ =	shalt  }
0x6e: {  	_ =	shalt  }
0x6f: {  	_ =	shalt  }
0x70: {  	_ =	shalt  }
0x71: {  	_ =	shalt  }
0x72: {  	_ =	shalt  }
0x73: {  	_ =	shalt  }
0x74: {  	_ =	shalt  }
0x75: {  	_ =	shalt  }
0x76: {  	_ =	shalt  }
0x77: {  	_ =	shalt  }
0x78: {  	_ =	shalt  }
0x79: {  	_ =	shalt  }
0x7a: {  	_ =	shalt  }
0x7b: {  	_ =	shalt  }
0x7c: {  	_ =	shalt  }
0x7d: {  	_ =	shalt  }
0x7e: {  	_ =	shalt  }
0x7f: {  	_ =	shalt  }
0x80: {  	_ =	shalt  }
0x81: {  	_ =	shalt  }
0x82: {  	_ =	shalt  }
0x83: {  	_ =	shalt  }
0x84: {  	_ =	shalt  }
0x85: {  	_ =	shalt  }
0x86: {  	_ =	shalt  }
0x87: {  	_ =	shalt  }
.Lfunc_end0:
.L_simem_size_0:
called_computation_lowered:
.L_overlay_start_0:
0x88: {  	s2 =	sld [smem:$0x3FD9]  }
0x89: {  	s3 =	sld [smem:$0x3FFE];
	_ =	sdelay $0x1  }
0x8a: {  	s1 =	srdreg.scid  }
0x8b: {  	s0 =	sand.u32 $0x1, s1  }
0x8c: {  	s17 =	sshll.u32 s0, $0xA;
	s2 =	sadd.s32 s3, s2  }
0x8d: {  	s2 =	sadd.s32 s2, s17  }
0x8e: {  	[smem:$0x3FC6] =	sst s2  }
0x8f: {  	_ = 	snop  }
0x90: {  	s2 =	sld [smem:$0x3FD0];
	(tm) =	ssettm $0x1  }
0x91: {  	s18 =	sld [smem:$0x3FFB];
	_ =	sdelay $0x3  }
0x92: {  	_ =	strace s18  }
0x93: {  	s3 =	sld [smem:$0x3FFC];
	_ =	sdelay $0x3  }
0x94: {  	_ =	strace s3  }
0x95: {  	s3 =	sld [smem:$0x3FFD];
	_ =	sdelay $0x3  }
0x96: {  	_ =	strace s3  }
0x97: {  	_ =	strace $0x8FFFFFFF  }
0x98: {  	s19 =	sld [smem:$0x3FDB];
	_ =	sdelay $0x1  }
0x99: {  	s4 =	simm.s32 $_scs_section_size  }
0x9a: {  	s5 =	simm.s32 $_size__tile_overlayer_lowered;
	s6 =	simm.s32 $_tile_overlayer_lowered  }
0x9b: {  	s22 =	simm.s32 $0x1BFF;
	s21 =	sshll.u32 s6, $0x1;
	s3 =	sadd.s32 s4, s19  }
0x9c: {  	s7 =	simm.s32 $0x0;
	s20 =	sshll.u32 s5, $0x1;
	s5 =	sadd.s32 s21, s3  }
0x9d: {  	[timem:s7], [sflag:s22] =	dma.local [hbm:s5], s20  }
0x9e: {  	_ =	swait.ge [sflag:s22], s20  }
0x9f: {  	s4 =	ssub.s32 $0x0, s20;
	[sflag:s22] =	ssyncset.done $0x0  }
0xa0: {  	[sflag:s22] =	ssyncadd.s32 s4;
	_ =	sdelay $0x1  }
0xa1: {  	s23 =	simm.s32 $0x1B8B  }
0xa2: {  	_ =	swait.ge [sflag:s23], $0x1  }
0xa3: {  	[sflag:s23] =	ssyncset.done $0x0  }
0xa4: {  	s25 =	simm.s32 $0x1B8E;
	s24 =	sld [smem:$0x3FFE];
	[sflag:s23] =	ssyncadd.s32 $0xFFFFFFFF  }
0xa5: {  	s26 =	simm.s32 $execute0_lowered;
	[smem:$0x3FD2] =	sst s25  }
0xa6: {  	s5 =	sshll.u32 s26, $0x1;
	_ =	strace $0x80000046;
	[dreg:$0x1] =	wrdreg $0xFFFFFFFF  }
0xa7: {  	s28 =	simm.s32 $_size_execute0_lowered;
	s3 =	sadd.s32 s3, s5;
	[dreg:$0x0] =	wrdreg $0x0  }
0xa8: {  	s5 =	sshll.u32 s28, $0x1;
	[dreg:$0x2] =	wrdreg s3  }
0xa9: {  	[dreg:$0x3] =	wrdreg s5  }
0xaa: {  	[dreg:$0x4] =	wrdreg $0xC0  }
0xab: {  	_ =	task [dreg:s7], $0x5FFFF  }
0xac: {  	[dreg:$0x1] =	wrdreg $0xFFFFFFFF  }
0xad: {  	[dreg:$0x0] =	wrdreg $0x60  }
0xae: {  	[dreg:$0x2] =	wrdreg s24  }
0xaf: {  	[dreg:$0x3] =	wrdreg s2  }
0xb0: {  	[dreg:$0x4] =	wrdreg $0x9  }
0xb1: {  	_ =	task.clear_ibuf [dreg:s7], $0x5FFFF;
	_ =	strace $0x90000046  }
0xb2: {  	s29 =	simm.s32 $0x9;
	_ =	strace $0x80000048  }
0xb3: {  	_ =	swait.ge [sflag:s29], $0x1  }
0xb4: {  	[sflag:s29] =	ssyncadd.s32 $0xFFFFFFFF  }
0xb5: {  	_ =	strace $0x90000048  }
0xb6: {  	_ =	sfence  }
0xb7: {  	s30 =	sld [smem:$0x0];
	_ =	sdelay $0x2  }
0xb8: {  	s31 =	sshll.u32 s1, $0xD;
	s1 =	sshrl.u32 s1, $0x2  }
0xb9: {  	s3 =	sand.u32 $0x4000, s31;
	s1 =	sadd.s32 s1, s30  }
0xba: {  	s0 =	sor.u32 s3, s0;
	s1 =	sshll.u32 s1, $0x11  }
0xbb: {  	s0 =	sor.u32 s1, s0  }
0xbc: {  	s0 =	sadd.s32 $0x8F2B, s0  }
0xbd: {  	[sflag:s0] =	ssyncadd.remote.s32 $0x1  }
0xbe: {  	_ =	sfence.sel $0xFFFF  }
0xbf: {  	[dreg:$0x0] =	wrdreg $0xFFFFFFFF;
	(pc) =	sbr.abs _section_cstart, $3  }
0xc0: {  	[dreg:$0x1] =	wrdreg $0xFFFFFFFF  }
0xc1: {  	_ =	task.clear_ibuf [dreg:s7], $0x2FFFF;
	_ =	strace $0x9FFFFFFF  }
0xc2: {  	(tm) =	ssettm $0x7FFFFFFF  }
0xc3: {  	_ =	shalt  }
tec
execute0_lowered:
.L_overlay_start_1:
0x0: {  	(tag) =	ssettag $0x1  }
0x1: {  	s3 =	rddreg [dreg:$0x0]  }
0x2: {  	s5 =	rddreg [dreg:$0x1]  }
0x3: {  	s0 =	rddreg [dreg:$0x2];
	s4 =	srdreg.scid  }
0x4: {  	s1 =	stileid.u32;
	s2 =	simm.s32 $0x0;
	s9 =	simm.s32 $0x4800  }
0x5: {  	s10 =	simm.s32 $0x0;
	s4 =	sand.u32 $0x1, s4;
	s6 =	sshll.u32 s1, $0x1  }
0x6: {  	[smem:$0x7FF] =	sst s2;
	s6 =	sor.u32 s4, s6;
	s4 =	ssub.s32 $0x2, s4  }
0x7: {  	v32 =	vlaneseq.u32;
	_ =	strace $0x80000047;
	s7 =	sshll.u32 s6, $0x8;
	s8 =	sshrl.u32 s4, $0x1  }
0x8: {  	v34 =	vmul.u32 $0x200, v32;
	s6 =	sshll.u32 s6, $0x7;
	s7 =	sadd.s32 s7, s3;
	s3 =	sadd.s32 $0x2600, s3  }
0x9: {  	s8 =	ssub.s32 s4, s8;
	s5 =	sadd.s32 s5, s6;
	s4 =	sadd.s32 $0x600, s7  }
0xa: {  	v2 =	vor.u32 $0x10, v32;
	v36 =	vor.u32 $0x2000, v34;
	s6 =	smax.u32 s8, $0x1;
	s7 =	simm.s32 $0x1;
	s8 =	simm.s32 $0x800  }
.LBB2_1:
0xb: {  	[tilespmem:s2], [sflag:$0x1] =	stream.linear.gather [hbm4b:s4+s2], $0x800, $0x38;
	[tilespmem:$0x4C00] =	vst v63  }
0xc: {  	_ =	swait.ge [sflag:s7], $0x800  }
0xd: {  	[sflag:s7] =	ssyncset.done $0x0  }
0xe: {  	[sflag:s7] =	ssyncadd.s32 $0xFFFFF800  }
0xf: {  	[tilespmem:s8], [sflag:$0x1] =	stream.linear.gather [hbm4b:s3+s2], $0x4000, $0x38;
	[tilespmem:$0x4C00] =	vst v63  }
0x10: {  	_ =	swait.ge [sflag:s7], $0x4000  }
0x11: {  	[sflag:s7] =	ssyncset.done $0x0  }
0x12: {  	s11 =	simm.s32 $0x20;
	[sflag:s7] =	ssyncadd.s32 $0xFFFFC000  }
0x13: {  	v4 =	vld [tilespmem:s11+$0x0];
	_ =	sdelay $0x4  }
0x14: {  	v4 =	vadd.f32 $1.000000000e+00, v4;
	_ =	sdelay $0x1  }
0x15: {  	v4 =	vmul.f32 $1.550000000e+01, v4;
	_ =	sdelay $0x1  }
0x16: {  	v4 =	vmax.f32 v4, $0.0e+00  }
0x17: {  	v8 =	vmin.f32 v4, $3.100000000e+01  }
0x18: {  	v5 =	vld [tilespmem:s11+$0x10];
	v4 =	vtrunc.f32 v8  }
0x19: {  	v6 =	vld [tilespmem:s11+$0xFFFFFFE0];
	v4 =	vcvt.f32.s32 v4;
	_ =	sdelay $0x1  }
0x1a: {  	vm0 =	vlt.s32 v4, $0x1E  }
0x1b: {  	v7 =	vld [tilespmem:s11+$0xFFFFFFF0];
	v9 =	vnsel vm0, $0x1E, v4  }
0x1c: {  	v5 =	vadd.f32 $1.000000000e+00, v5;
	v45 =	vshll.u32 v9, $0x4  }
0x1d: {  	v6 =	vadd.f32 $1.000000000e+00, v6;
	v10 =	vbroadcast v45, $0x0  }
0x1e: {  	v5 =	vmul.f32 $1.550000000e+01, v5;
	v16 =	vadd.s32 v34, v45  }
0x1f: {  	v44 =	vmul.f32 $1.550000000e+01, v6;
	v13 =	vbroadcast v16, $0x1;
	v11 =	vor.u32 v32, v10  }
0x20: {  	v7 =	vadd.f32 $1.000000000e+00, v7;
	v14 =	vbroadcast v16, $0x2;
	v10 =	vadd.s32 v2, v10  }
0x21: {  	v5 =	vmax.f32 v5, $0.0e+00;
	v4 =	vmax.f32 v44, $0.0e+00;
	v17 =	vor.u32 v32, v13  }
0x22: {  	v12 =	vmin.f32 v5, $3.100000000e+01;
	v47 =	vmin.f32 v4, $3.100000000e+01;
	v19 =	vor.u32 v32, v14  }
0x23: {  	v46 =	vtrunc.f32 v12;
	v4 =	vtrunc.f32 v47;
	v14 =	vadd.s32 v2, v14  }
0x24: {  	v18 =	vcvt.f32.s32 v4;
	v20 =	vbroadcast v16, $0x3;
	v13 =	vadd.s32 v2, v13;
	v21 =	vld.idx.msk [tilespmem:v11+s8+$0x0], $0xffff  }
0x25: {  	v7 =	vmul.f32 $1.550000000e+01, v7;
	v6 =	vcvt.f32.s32 v46;
	v22 =	vld.idx.msk [tilespmem:v10+s8+$0x0], $0xffff  }
0x26: {  	v9 =	vcvt.s32.f32 v9;
	vm10 =	vlt.s32 v18, $0x1E;
	v23 =	vor.u32 v32, v20;
	v17 =	vld.idx.msk [tilespmem:v17+s8+$0x0], $0xffff  }
0x27: {  	v24 =	vbroadcast v16, $0x4;
	v20 =	vadd.s32 v2, v20;
	v50 =	vnsel vm10, $0x1E, v18;
	v18 =	vld.idx.msk [tilespmem:v19+s8+$0x0], $0xffff  }
0x28: {  	v7 =	vmax.f32 v7, $0.0e+00;
	vm9 =	vlt.s32 v6, $0x1E;
	v14 =	vld.idx.msk [tilespmem:v14+s8+$0x0], $0xffff  }
0x29: {  	v25 =	vld.idx.msk [tilespmem:v13+s8+$0x0], $0xffff;
	v13 =	vsub.f32 v8, v9;
	v8 =	vbroadcast v16, $0x5;
	v19 =	vor.u32 v32, v24  }
0x2a: {  	v48 =	vmin.f32 v7, $3.100000000e+01;
	v6 =	vnsel vm9, $0x1E, v6;
	v24 =	vadd.s32 v2, v24  }
0x2b: {  	v15 =	vcvt.s32.f32 v6;
	v27 =	vbroadcast v16, $0x6;
	v23 =	vld.idx.msk [tilespmem:v23+s8+$0x0], $0xffff;
	v28 =	vor.u32 v32, v8  }
0x2c: {  	v20 =	vld.idx.msk [tilespmem:v20+s8+$0x0], $0xffff;
	v26 =	vbroadcast v13, $0x0;
	v29 =	vadd.s32 v2, v8;
	v22 =	vsub.f32 v22, v21  }
0x2d: {  	v30 =	vor.u32 v32, v27;
	v31 =	vbroadcast v13, $0x2;
	v14 =	vsub.f32 v14, v18  }
0x2e: {  	v25 =	vsub.f32 v25, v17;
	v19 =	vld.idx.msk [tilespmem:v19+s8+$0x0], $0xffff;
	v22 =	vmul.f32 v26, v22;
	v26 =	vbroadcast v13, $0x1  }
0x2f: {  	v6 =	vshll.u32 v6, $0x4;
	v27 =	vadd.s32 v2, v27;
	v24 =	vld.idx.msk [tilespmem:v24+s8+$0x0], $0xffff;
	v14 =	vmul.f32 v31, v14  }
0x30: {  	v28 =	vld.idx.msk [tilespmem:v28+s8+$0x0], $0xffff;
	v21 =	vadd.f32 v22, v21;
	v22 =	vmul.f32 v26, v25;
	v25 =	vbroadcast v16, $0x7  }
0x31: {  	v20 =	vsub.f32 v20, v23;
	v29 =	vld.idx.msk [tilespmem:v29+s8+$0x0], $0xffff;
	v31 =	vbroadcast v13, $0x3;
	v26 =	vbroadcast v16, $0x8  }
0x32: {  	v14 =	vadd.f32 v14, v18;
	v17 =	vadd.f32 v22, v17;
	v22 =	vor.u32 v32, v25  }
0x33: {  	v30 =	vld.idx.msk [tilespmem:v30+s8+$0x0], $0xffff;
	v18 =	vbroadcast v16, $0x9;
	v21 =	vadd.f32 $0.0e+00, v21;
	v25 =	vadd.s32 v2, v25  }
0x34: {  	v11 =	vadd.s32 v36, v6;
	v27 =	vld.idx.msk [tilespmem:v27+s8+$0x0], $0xffff;
	v20 =	vmul.f32 v20, v31;
	v31 =	vbroadcast v13, $0x4  }
0x35: {  	v24 =	vsub.f32 v24, v19;
	v17 =	vadd.f32 v21, v17;
	v21 =	vor.u32 v32, v26  }
0x36: {  	v20 =	vadd.f32 v20, v23;
	v26 =	vadd.s32 v2, v26;
	v23 =	vsub.f32 v29, v28  }
0x37: {  	v29 =	vbroadcast v13, $0x5;
	v14 =	vadd.f32 v17, v14;
	v17 =	vor.u32 v32, v18;
	v22 =	vld.idx.msk [tilespmem:v22+s8+$0x0], $0xffff  }
0x38: {  	v24 =	vmul.f32 v24, v31;
	v31 =	vbroadcast v16, $0xA;
	v18 =	vadd.s32 v2, v18;
	v25 =	vld.idx.msk [tilespmem:v25+s8+$0x0], $0xffff  }
0x39: {  	v27 =	vsub.f32 v27, v30;
	v23 =	vmul.f32 v23, v29;
	v29 =	vbroadcast v13, $0x6  }
0x3a: {  	v19 =	vadd.f32 v24, v19;
	v24 =	vor.u32 v32, v31;
	v14 =	vadd.f32 v14, v20;
	v21 =	vld.idx.msk [tilespmem:v21+s8+$0x0], $0xffff  }
0x3b: {  	v31 =	vadd.s32 v2, v31;
	v20 =	vbroadcast v16, $0xB;
	v27 =	vmul.f32 v27, v29;
	v26 =	vld.idx.msk [tilespmem:v26+s8+$0x0], $0xffff  }
0x3c: {  	v29 =	vbroadcast v13, $0x7;
	v14 =	vadd.f32 v14, v19;
	v19 =	vadd.f32 v23, v28;
	v17 =	vld.idx.msk [tilespmem:v17+s8+$0x0], $0xffff  }
0x3d: {  	v23 =	vbroadcast v16, $0xC;
	v28 =	vor.u32 v32, v20;
	v18 =	vld.idx.msk [tilespmem:v18+s8+$0x0], $0xffff;
	v25 =	vsub.f32 v25, v22  }
0x3e: {  	v20 =	vadd.s32 v2, v20;
	v27 =	vadd.f32 v27, v30;
	v19 =	vadd.f32 v14, v19  }
0x3f: {  	v49 =	vbroadcast v11, $0xF;
	v24 =	vld.idx.msk [tilespmem:v24+s8+$0x0], $0xffff;
	v25 =	vmul.f32 v25, v29;
	v29 =	vor.u32 v32, v23  }
0x40: {  	v31 =	vld.idx.msk [tilespmem:v31+s8+$0x0], $0xffff;
	v26 =	vsub.f32 v26, v21;
	v19 =	vadd.f32 v27, v19;
	v27 =	vbroadcast v13, $0x8  }
0x41: {  	v30 =	vbroadcast v16, $0xF;
	v23 =	vadd.s32 v2, v23;
	v22 =	vadd.f32 v25, v22  }
0x42: {  	v28 =	vld.idx.msk [tilespmem:v28+s8+$0x0], $0xffff;
	v25 =	vbroadcast v16, $0xD;
	v18 =	vsub.f32 v18, v17;
	v26 =	vmul.f32 v26, v27  }
0x43: {  	v20 =	vld.idx.msk [tilespmem:v20+s8+$0x0], $0xffff;
	v27 =	vbroadcast v13, $0x9;
	v16 =	vbroadcast v16, $0xE;
	v19 =	vadd.f32 v22, v19  }
0x44: {  	v22 =	vor.u32 v32, v25;
	v25 =	vadd.s32 v2, v25;
	v21 =	vadd.f32 v26, v21  }
0x45: {  	v18 =	vmul.f32 v18, v27;
	v26 =	vbroadcast v11, $0x0;
	v27 =	vld.idx.msk [tilespmem:v29+s8+$0x0], $0xffff;
	v29 =	vsub.f32 v31, v24  }
0x46: {  	v31 =	vbroadcast v13, $0xA;
	v19 =	vadd.f32 v21, v19;
	v21 =	vor.u32 v32, v16  }
0x47: {  	v23 =	vld.idx.msk [tilespmem:v23+s8+$0x0], $0xffff;
	v17 =	vadd.f32 v18, v17;
	v18 =	vor.u32 v32, v30;
	v16 =	vadd.s32 v2, v16  }
0x48: {  	v20 =	vsub.f32 v20, v28;
	v29 =	vmul.f32 v29, v31;
	v31 =	vbroadcast v13, $0xB  }
0x49: {  	v10 =	vbroadcast v11, $0xD;
	v30 =	vadd.s32 v2, v30;
	v17 =	vadd.f32 v17, v19;
	v22 =	vld.idx.msk [tilespmem:v22+s8+$0x0], $0xffff  }
0x4a: {  	v25 =	vld.idx.msk [tilespmem:v25+s8+$0x0], $0xffff;
	v24 =	vadd.f32 v29, v24;
	v20 =	vmul.f32 v20, v31;
	v31 =	vor.u32 v32, v26  }
0x4b: {  	v9 =	vbroadcast v11, $0xE;
	v14 =	vbroadcast v11, $0xB;
	v26 =	vadd.s32 v2, v26;
	v21 =	vld.idx.msk [tilespmem:v21+s8+$0x0], $0xffff  }
0x4c: {  	v23 =	vsub.f32 v23, v27;
	v17 =	vadd.f32 v24, v17;
	v24 =	vbroadcast v13, $0xC;
	v16 =	vld.idx.msk [tilespmem:v16+s8+$0x0], $0xffff  }
0x4d: {  	v12 =	vsub.f32 v12, v15;
	v19 =	vbroadcast v11, $0xC;
	v29 =	vbroadcast v11, $0x1;
	v18 =	vld.idx.msk [tilespmem:v18+s8+$0x0], $0xffff  }
0x4e: {  	v20 =	vadd.f32 v20, v28;
	v28 =	vbroadcast v11, $0x2;
	v23 =	vmul.f32 v23, v24;
	v24 =	vld.idx.msk [tilespmem:v30+s8+$0x0], $0xffff  }
0x4f: {  	v15 =	vor.u32 v32, v29;
	v30 =	vbroadcast v13, $0xD;
	v25 =	vsub.f32 v25, v22;
	v31 =	vld.idx.msk [tilespmem:v31+s8+$0x0], $0xffff  }
0x50: {  	v29 =	vadd.s32 v2, v29;
	v17 =	vadd.f32 v20, v17;
	v20 =	vbroadcast v11, $0x9;
	v26 =	vld.idx.msk [tilespmem:v26+s8+$0x0], $0xffff  }
0x51: {  	v23 =	vadd.f32 v23, v27;
	v27 =	vbroadcast v11, $0x5;
	v25 =	vmul.f32 v25, v30  }
0x52: {  	v30 =	vor.u32 v32, v28;
	v16 =	vsub.f32 v16, v21;
	v28 =	vadd.s32 v2, v28  }
0x53: {  	v17 =	vadd.f32 v23, v17;
	v23 =	vbroadcast v13, $0xE;
	v13 =	vbroadcast v13, $0xF  }
0x54: {  	v15 =	vld.idx.msk [tilespmem:v15+s8+$0x0], $0xffff;
	v22 =	vadd.f32 v25, v22;
	v25 =	vbroadcast v11, $0x3;
	v24 =	vsub.f32 v24, v18  }
0x55: {  	v29 =	vld.idx.msk [tilespmem:v29+s8+$0x0], $0xffff;
	v16 =	vmul.f32 v16, v23;
	v23 =	vbroadcast v11, $0x4;
	v26 =	vsub.f32 v26, v31  }
0x56: {  	v17 =	vadd.f32 v22, v17;
	v22 =	vor.u32 v32, v25;
	v13 =	vmul.f32 v24, v13  }
0x57: {  	v25 =	vadd.s32 v2, v25;
	v16 =	vadd.f32 v16, v21;
	v24 =	vld.idx.msk [tilespmem:v30+s8+$0x0], $0xffff;
	v30 =	vbroadcast v12, $0x0  }
0x58: {  	v21 =	vbroadcast v11, $0x6;
	v28 =	vld.idx.msk [tilespmem:v28+s8+$0x0], $0xffff;
	v13 =	vadd.f32 v13, v18;
	v18 =	vor.u32 v32, v27  }
0x59: {  	v16 =	vadd.f32 v16, v17;
	v17 =	vor.u32 v32, v23;
	v26 =	vmul.f32 v30, v26  }
0x5a: {  	v29 =	vsub.f32 v29, v15;
	v23 =	vadd.s32 v2, v23;
	v30 =	vbroadcast v12, $0x1  }
0x5b: {  	v27 =	vadd.s32 v2, v27;
	v22 =	vld.idx.msk [tilespmem:v22+s8+$0x0], $0xffff;
	v13 =	vadd.f32 v13, v16;
	v26 =	vadd.f32 v26, v31  }
0x5c: {  	v25 =	vld.idx.msk [tilespmem:v25+s8+$0x0], $0xffff;
	v31 =	vbroadcast v11, $0x7;
	v29 =	vmul.f32 v30, v29;
	v30 =	vor.u32 v32, v21  }
0x5d: {  	v21 =	vadd.s32 v2, v21;
	v28 =	vsub.f32 v28, v24;
	v13 =	vadd.f32 v26, v13;
	v18 =	vld.idx.msk [tilespmem:v18+s8+$0x0], $0xffff  }
0x5e: {  	v26 =	vbroadcast v12, $0x2;
	v15 =	vadd.f32 v29, v15;
	v29 =	vor.u32 v32, v31;
	v17 =	vld.idx.msk [tilespmem:v17+s8+$0x0], $0xffff  }
0x5f: {  	v16 =	vbroadcast v11, $0xA;
	v11 =	vbroadcast v11, $0x8;
	v31 =	vadd.s32 v2, v31;
	v23 =	vld.idx.msk [tilespmem:v23+s8+$0x0], $0xffff  }
0x60: {  	v27 =	vld.idx.msk [tilespmem:v27+s8+$0x0], $0xffff;
	v26 =	vmul.f32 v26, v28;
	v13 =	vadd.f32 v13, v15;
	v15 =	vor.u32 v32, v9  }
0x61: {  	v28 =	vbroadcast v12, $0x3;
	v9 =	vadd.s32 v2, v9;
	v25 =	vsub.f32 v25, v22;
	v30 =	vld.idx.msk [tilespmem:v30+s8+$0x0], $0xffff  }
0x62: {  	v6 =	vcvt.s32.f32 v50;
	v21 =	vld.idx.msk [tilespmem:v21+s8+$0x0], $0xffff;
	v24 =	vadd.f32 v26, v24;
	v26 =	vor.u32 v32, v11  }
0x63: {  	v11 =	vadd.s32 v2, v11;
	v25 =	vmul.f32 v25, v28;
	v28 =	vor.u32 v32, v20;
	v29 =	vld.idx.msk [tilespmem:v29+s8+$0x0], $0xffff  }
0x64: {  	v31 =	vld.idx.msk [tilespmem:v31+s8+$0x0], $0xffff;
	v23 =	vsub.f32 v23, v17;
	v13 =	vadd.f32 v13, v24;
	v24 =	vbroadcast v12, $0x4  }
0x65: {  	v8 =	vshll.u32 v50, $0x4;
	v20 =	vadd.s32 v2, v20;
	v27 =	vsub.f32 v27, v18;
	v15 =	vld.idx.msk [tilespmem:v15+s8+$0x0], $0xffff  }
0x66: {  	v22 =	vadd.f32 v25, v22;
	v25 =	vor.u32 v32, v16;
	v9 =	vld.idx.msk [tilespmem:v9+s8+$0x0], $0xffff;
	v23 =	vmul.f32 v23, v24  }
0x67: {  	v16 =	vadd.s32 v2, v16;
	v24 =	vbroadcast v12, $0x5;
	v21 =	vsub.f32 v21, v30;
	v26 =	vld.idx.msk [tilespmem:v26+s8+$0x0], $0xffff  }
0x68: {  	v13 =	vadd.f32 v13, v22;
	v22 =	vor.u32 v32, v49;
	v11 =	vld.idx.msk [tilespmem:v11+s8+$0x0], $0xffff;
	v17 =	vadd.f32 v23, v17  }
0x69: {  	v23 =	vor.u32 v32, v19;
	v24 =	vmul.f32 v27, v24;
	v27 =	vor.u32 v32, v14;
	v28 =	vld.idx.msk [tilespmem:v28+s8+$0x0], $0xffff  }
0x6a: {  	v14 =	vadd.s32 v2, v14;
	v20 =	vld.idx.msk [tilespmem:v20+s8+$0x0], $0xffff;
	v19 =	vadd.s32 v2, v19;
	v31 =	vsub.f32 v31, v29  }
0x6b: {  	v13 =	vadd.f32 v13, v17;
	v17 =	vbroadcast v12, $0x6;
	v18 =	vadd.f32 v24, v18;
	v25 =	vld.idx.msk [tilespmem:v25+s8+$0x0], $0xffff  }
0x6c: {  	v24 =	vor.u32 v32, v10;
	v16 =	vld.idx.msk [tilespmem:v16+s8+$0x0], $0xffff;
	v10 =	vadd.s32 v2, v10;
	v9 =	vsub.f32 v9, v15  }
0x6d: {  	v17 =	vmul.f32 v21, v17;
	v21 =	vbroadcast v12, $0x7;
	v11 =	vsub.f32 v11, v26;
	v52 =	vld.idx.msk [tilespmem:v22+s8+$0x0], $0xffff  }
0x6e: {  	v13 =	vadd.f32 v13, v18;
	v18 =	vbroadcast v12, $0x8;
	v22 =	vbroadcast v12, $0xC;
	v27 =	vld.idx.msk [tilespmem:v27+s8+$0x0], $0xffff  }
0x6f: {  	v14 =	vld.idx.msk [tilespmem:v14+s8+$0x0], $0xffff;
	v20 =	vsub.f32 v20, v28;
	v17 =	vadd.f32 v17, v30;
	v21 =	vmul.f32 v31, v21  }
0x70: {  	v23 =	vld.idx.msk [tilespmem:v23+s8+$0x0], $0xffff;
	v30 =	vbroadcast v12, $0x9;
	v31 =	vadd.s32 v2, v49;
	v11 =	vmul.f32 v11, v18  }
0x71: {  	v18 =	vbroadcast v8, $0x0;
	v10 =	vld.idx.msk [tilespmem:v10+s8+$0x0], $0xffff;
	v51 =	vadd.f32 v17, v13;
	v13 =	vadd.f32 v21, v29  }
0x72: {  	v16 =	vsub.f32 v16, v25;
	v17 =	vld.idx.msk [tilespmem:v19+s8+$0x0], $0xffff;
	v19 =	vbroadcast v12, $0xA;
	v20 =	vmul.f32 v20, v30  }
0x73: {  	v8 =	vadd.s32 v34, v8;
	v21 =	vld.idx.msk [tilespmem:v24+s8+$0x0], $0xffff;
	v11 =	vadd.f32 v11, v26;
	v7 =	vadd.f32 v13, v51  }
0x74: {  	v24 =	vor.u32 v32, v18;
	v20 =	vadd.f32 v20, v28;
	v16 =	vmul.f32 v16, v19  }
0x75: {  	v14 =	vsub.f32 v14, v27;
	v19 =	vbroadcast v12, $0xB;
	v11 =	vadd.f32 v11, v7  }
0x76: {  	v18 =	vadd.s32 v2, v18;
	v26 =	vbroadcast v12, $0xE;
	v16 =	vadd.f32 v16, v25  }
0x77: {  	v14 =	vmul.f32 v14, v19;
	v17 =	vsub.f32 v17, v23;
	v11 =	vadd.f32 v20, v11;
	v20 =	vld.idx.msk [tilespmem:v31+s8+$0x0], $0xffff  }
0x78: {  	v19 =	vbroadcast v8, $0x1;
	v25 =	vbroadcast v12, $0xD;
	v10 =	vsub.f32 v10, v21  }
0x79: {  	v14 =	vadd.f32 v14, v27;
	v11 =	vadd.f32 v16, v11;
	v16 =	vmul.f32 v17, v22  }
0x7a: {  	v24 =	vld.idx.msk [tilespmem:v24+s8+$0x0], $0xffff;
	v10 =	vmul.f32 v10, v25;
	v17 =	vor.u32 v32, v19;
	v19 =	vadd.s32 v2, v19  }
0x7b: {  	v18 =	vld.idx.msk [tilespmem:v18+s8+$0x0], $0xffff;
	v22 =	vbroadcast v8, $0x2;
	v14 =	vadd.f32 v14, v11;
	v16 =	vadd.f32 v16, v23  }
0x7c: {  	v13 =	vtrunc.f32 v48;
	v23 =	vbroadcast v8, $0x3;
	v11 =	vsub.f32 v20, v52  }
0x7d: {  	v20 =	vor.u32 v32, v22;
	v14 =	vadd.f32 v16, v14;
	v16 =	vadd.f32 v10, v21  }
0x7e: {  	v9 =	vmul.f32 v9, v26;
	v22 =	vadd.s32 v2, v22;
	v10 =	vsub.f32 v47, v6  }
0x7f: {  	v53 =	vor.u32 v32, v23;
	v17 =	vld.idx.msk [tilespmem:v17+s8+$0x0], $0xffff;
	v54 =	vadd.f32 v16, v14;
	v14 =	vbroadcast v8, $0x4  }
0x80: {  	v9 =	vadd.f32 v9, v15;
	v15 =	vsub.f32 v18, v24;
	v19 =	vld.idx.msk [tilespmem:v19+s8+$0x0], $0xffff;
	v16 =	vadd.s32 v2, v23  }
0x81: {  	v18 =	vbroadcast v10, $0x0;
	v23 =	vbroadcast v8, $0x5;
	v21 =	vor.u32 v32, v14  }
0x82: {  	v26 =	vbroadcast v8, $0x6;
	v13 =	vcvt.f32.s32 v13;
	v20 =	vld.idx.msk [tilespmem:v20+s8+$0x0], $0xffff;
	v14 =	vadd.s32 v2, v14  }
0x83: {  	v12 =	vbroadcast v12, $0xF;
	v22 =	vld.idx.msk [tilespmem:v22+s8+$0x0], $0xffff;
	v15 =	vmul.f32 v18, v15;
	v18 =	vor.u32 v32, v23  }
0x84: {  	v28 =	vor.u32 v32, v26;
	v31 =	vbroadcast v8, $0x9;
	v23 =	vadd.s32 v2, v23;
	v5 =	vld.idx.msk [tilespmem:v53+s8+$0x0], $0xffff  }
0x85: {  	v25 =	vbroadcast v10, $0x1;
	v27 =	vbroadcast v10, $0x2;
	v19 =	vsub.f32 v19, v17;
	v16 =	vld.idx.msk [tilespmem:v16+s8+$0x0], $0xffff  }
0x86: {  	v15 =	vadd.f32 v15, v24;
	v24 =	vadd.s32 v2, v26;
	v26 =	vbroadcast v8, $0x7;
	v21 =	vld.idx.msk [tilespmem:v21+s8+$0x0], $0xffff  }
0x87: {  	vm11 =	vlt.s32 v13, $0x1E;
	v30 =	vbroadcast v10, $0x4;
	v19 =	vmul.f32 v25, v19;
	v14 =	vld.idx.msk [tilespmem:v14+s8+$0x0], $0xffff  }
0x88: {  	v25 =	vbroadcast v10, $0x3;
	v29 =	vor.u32 v32, v26;
	v22 =	vsub.f32 v22, v20;
	v18 =	vld.idx.msk [tilespmem:v18+s8+$0x0], $0xffff  }
0x89: {  	v15 =	vadd.f32 $0.0e+00, v15;
	v23 =	vld.idx.msk [tilespmem:v23+s8+$0x0], $0xffff;
	v17 =	vadd.f32 v19, v17;
	v19 =	vbroadcast v8, $0x8  }
0x8a: {  	v26 =	vadd.s32 v2, v26;
	v22 =	vmul.f32 v27, v22;
	v27 =	vbroadcast v10, $0x5  }
0x8b: {  	v16 =	vsub.f32 v16, v5;
	v15 =	vadd.f32 v15, v17;
	v17 =	vld.idx.msk [tilespmem:v28+s8+$0x0], $0xffff;
	v28 =	vor.u32 v32, v19  }
0x8c: {  	v19 =	vadd.s32 v2, v19;
	v20 =	vadd.f32 v22, v20;
	v22 =	vld.idx.msk [tilespmem:v24+s8+$0x0], $0xffff;
	v24 =	vor.u32 v32, v31  }
0x8d: {  	v16 =	vmul.f32 v16, v25;
	v25 =	vld.idx.msk [tilespmem:v29+s8+$0x0], $0xffff;
	v29 =	vbroadcast v8, $0xA;
	v14 =	vsub.f32 v14, v21  }
0x8e: {  	v31 =	vadd.s32 v2, v31;
	v23 =	vsub.f32 v23, v18;
	v15 =	vadd.f32 v15, v20  }
0x8f: {  	v26 =	vld.idx.msk [tilespmem:v26+s8+$0x0], $0xffff;
	v20 =	vbroadcast v10, $0x6;
	v5 =	vadd.f32 v16, v5;
	v16 =	vor.u32 v32, v29  }
0x90: {  	v14 =	vmul.f32 v14, v30;
	v30 =	vbroadcast v8, $0xB;
	v29 =	vadd.s32 v2, v29  }
0x91: {  	v23 =	vmul.f32 v23, v27;
	v28 =	vld.idx.msk [tilespmem:v28+s8+$0x0], $0xffff;
	v5 =	vadd.f32 v15, v5;
	v15 =	vbroadcast v10, $0x7  }
0x92: {  	v19 =	vld.idx.msk [tilespmem:v19+s8+$0x0], $0xffff;
	v14 =	vadd.f32 v14, v21;
	v21 =	vor.u32 v32, v30;
	v22 =	vsub.f32 v22, v17  }
0x93: {  	v30 =	vadd.s32 v2, v30;
	v27 =	vld.idx.msk [tilespmem:v31+s8+$0x0], $0xffff;
	v31 =	vbroadcast v8, $0xC;
	v18 =	vadd.f32 v23, v18  }
0x94: {  	v24 =	vld.idx.msk [tilespmem:v24+s8+$0x0], $0xffff;
	v5 =	vadd.f32 v5, v14;
	v14 =	vsub.f32 v26, v25;
	v20 =	vmul.f32 v22, v20  }
0x95: {  	v13 =	vnsel vm11, $0x1E, v13;
	v26 =	vbroadcast v10, $0x8;
	v23 =	vor.u32 v32, v31  }
0x96: {  	v16 =	vld.idx.msk [tilespmem:v16+s8+$0x0], $0xffff;
	v14 =	vmul.f32 v14, v15;
	v5 =	vadd.f32 v5, v18;
	v17 =	vadd.f32 v20, v17  }
0x97: {  	v22 =	vld.idx.msk [tilespmem:v29+s8+$0x0], $0xffff;
	v29 =	vbroadcast v8, $0xD;
	v15 =	vadd.s32 v2, v31;
	v19 =	vsub.f32 v19, v28  }
0x98: {  	v18 =	vbroadcast v10, $0x9;
	v21 =	vld.idx.msk [tilespmem:v21+s8+$0x0], $0xffff;
	v14 =	vadd.f32 v14, v25;
	v5 =	vadd.f32 v17, v5  }
0x99: {  	v20 =	vld.idx.msk [tilespmem:v30+s8+$0x0], $0xffff;
	v17 =	vsub.f32 v27, v24;
	v25 =	vor.u32 v32, v29;
	v19 =	vmul.f32 v19, v26  }
0x9a: {  	v11 =	vmul.f32 v11, v12;
	v26 =	vadd.s32 v2, v29;
	v27 =	vbroadcast v8, $0xE  }
0x9b: {  	v5 =	vadd.f32 v14, v5;
	v14 =	vmul.f32 v17, v18;
	v18 =	vadd.f32 v19, v28  }
0x9c: {  	v8 =	vbroadcast v8, $0xF;
	v23 =	vld.idx.msk [tilespmem:v23+s8+$0x0], $0xffff;
	v17 =	vsub.f32 v22, v16;
	v19 =	vbroadcast v10, $0xA  }
0x9d: {  	v22 =	vadd.s32 v2, v27;
	v15 =	vld.idx.msk [tilespmem:v15+s8+$0x0], $0xffff;
	v14 =	vadd.f32 v14, v24;
	v5 =	vadd.f32 v18, v5  }
0x9e: {  	v20 =	vsub.f32 v20, v21;
	v17 =	vmul.f32 v17, v19;
	v19 =	vor.u32 v32, v27;
	v18 =	vld.idx.msk [tilespmem:v25+s8+$0x0], $0xffff  }
0x9f: {  	v24 =	vld.idx.msk [tilespmem:v26+s8+$0x0], $0xffff;
	v25 =	vshll.u32 v13, $0x4;
	v26 =	vbroadcast v10, $0xB;
	v14 =	vadd.f32 v14, v5  }
0xa0: {  	v55 =	vadd.s32 v36, v25;
	v16 =	vadd.f32 v17, v16;
	v17 =	vor.u32 v32, v8  }
0xa1: {  	v8 =	vadd.s32 v2, v8;
	v20 =	vmul.f32 v20, v26;
	v25 =	vbroadcast v55, $0x0  }
0xa2: {  	v15 =	vsub.f32 v15, v23;
	v14 =	vadd.f32 v16, v14;
	v16 =	vbroadcast v10, $0xC  }
0xa3: {  	v13 =	vcvt.s32.f32 v13;
	v22 =	vld.idx.msk [tilespmem:v22+s8+$0x0], $0xffff;
	v20 =	vadd.f32 v20, v21;
	v21 =	vor.u32 v32, v25  }
0xa4: {  	v19 =	vld.idx.msk [tilespmem:v19+s8+$0x0], $0xffff;
	v15 =	vmul.f32 v15, v16;
	v16 =	vsub.f32 v24, v18;
	v24 =	vbroadcast v10, $0xD  }
0xa5: {  	v26 =	vbroadcast v55, $0x1;
	v27 =	vbroadcast v55, $0x8;
	v12 =	vadd.s32 v2, v25  }
0xa6: {  	v14 =	vadd.f32 v20, v14;
	v17 =	vld.idx.msk [tilespmem:v17+s8+$0x0], $0xffff;
	v15 =	vadd.f32 v15, v23;
	v16 =	vmul.f32 v16, v24  }
0xa7: {  	v25 =	vbroadcast v10, $0xE;
	v20 =	vor.u32 v32, v26;
	v24 =	vld.idx.msk [tilespmem:v8+s8+$0x0], $0xffff;
	v8 =	vbroadcast v55, $0x2  }
0xa8: {  	v23 =	vadd.s32 v2, v26;
	v14 =	vadd.f32 v15, v14;
	v15 =	vadd.f32 v16, v18  }
0xa9: {  	v16 =	vld.idx.msk [tilespmem:v21+s8+$0x0], $0xffff;
	v18 =	vor.u32 v32, v8;
	v21 =	vsub.f32 v22, v19;
	v22 =	vbroadcast v55, $0x3  }
0xaa: {  	v10 =	vbroadcast v10, $0xF;
	v12 =	vld.idx.msk [tilespmem:v12+s8+$0x0], $0xffff;
	v26 =	vadd.s32 v2, v8;
	v8 =	vsub.f32 v48, v13  }
0xab: {  	v14 =	vadd.f32 v15, v14;
	v13 =	vmul.f32 v21, v25;
	v15 =	vor.u32 v32, v22  }
0xac: {  	v56 =	vld.idx.msk [tilespmem:v20+s8+$0x0], $0xffff;
	v21 =	vadd.s32 v2, v22;
	v25 =	vbroadcast v55, $0x5;
	v22 =	vsub.f32 v24, v17  }
0xad: {  	v20 =	vld.idx.msk [tilespmem:v23+s8+$0x0], $0xffff;
	v23 =	vbroadcast v55, $0x4;
	v24 =	vbroadcast v8, $0x0  }
0xae: {  	v13 =	vadd.f32 v13, v19;
	v19 =	vbroadcast v8, $0x1;
	v18 =	vld.idx.msk [tilespmem:v18+s8+$0x0], $0xffff;
	v10 =	vmul.f32 v22, v10  }
0xaf: {  	v22 =	vor.u32 v32, v23;
	v26 =	vld.idx.msk [tilespmem:v26+s8+$0x0], $0xffff;
	v23 =	vadd.s32 v2, v23;
	v12 =	vsub.f32 v12, v16  }
0xb0: {  	v13 =	vadd.f32 v13, v14;
	v14 =	vor.u32 v32, v25;
	v10 =	vadd.f32 v10, v17  }
0xb1: {  	v25 =	vadd.s32 v2, v25;
	v17 =	vbroadcast v55, $0x6;
	v15 =	vld.idx.msk [tilespmem:v15+s8+$0x0], $0xffff;
	v12 =	vmul.f32 v24, v12  }
0xb2: {  	v24 =	vbroadcast v8, $0x2;
	v21 =	vld.idx.msk [tilespmem:v21+s8+$0x0], $0xffff;
	v20 =	vsub.f32 v20, v56;
	v10 =	vadd.f32 v10, v13  }
0xb3: {  	v13 =	vor.u32 v32, v17;
	v12 =	vadd.f32 v12, v16;
	v16 =	vbroadcast v55, $0x7  }
0xb4: {  	v17 =	vadd.s32 v2, v17;
	v19 =	vmul.f32 v19, v20;
	v20 =	vld.idx.msk [tilespmem:v22+s8+$0x0], $0xffff;
	v22 =	vsub.f32 v26, v18  }
0xb5: {  	v26 =	vbroadcast v8, $0x3;
	v23 =	vld.idx.msk [tilespmem:v23+s8+$0x0], $0xffff;
	v10 =	vadd.f32 v12, v10;
	v12 =	vor.u32 v32, v16  }
0xb6: {  	v14 =	vld.idx.msk [tilespmem:v14+s8+$0x0], $0xffff;
	v16 =	vadd.s32 v2, v16;
	v4 =	vadd.f32 v19, v56;
	v19 =	vmul.f32 v24, v22  }
0xb7: {  	v22 =	vbroadcast v8, $0x4;
	v24 =	vld.idx.msk [tilespmem:v25+s8+$0x0], $0xffff;
	v21 =	vsub.f32 v21, v15;
	v25 =	vor.u32 v32, v27  }
0xb8: {  	v4 =	vadd.f32 v10, v4;
	v10 =	vld.idx.msk [tilespmem:v13+s8+$0x0], $0xffff;
	v13 =	vadd.f32 v19, v18;
	v18 =	vadd.s32 v2, v27  }
0xb9: {  	v6 =	vadd.f32 v9, v54;
	v9 =	vld.idx.msk [tilespmem:v17+s8+$0x0], $0xffff;
	v17 =	vbroadcast v55, $0x9;
	v19 =	vmul.f32 v21, v26  }
0xba: {  	v21 =	vbroadcast v8, $0x5;
	v4 =	vadd.f32 v4, v13;
	v13 =	vsub.f32 v23, v20;
	v12 =	vld.idx.msk [tilespmem:v12+s8+$0x0], $0xffff  }
0xbb: {  	v23 =	vor.u32 v32, v17;
	v15 =	vadd.f32 v19, v15;
	v16 =	vld.idx.msk [tilespmem:v16+s8+$0x0], $0xffff;
	v19 =	vbroadcast v55, $0xA  }
0xbc: {  	v17 =	vadd.s32 v2, v17;
	v13 =	vmul.f32 v13, v22;
	v22 =	vsub.f32 v24, v14;
	v24 =	vld.idx.msk [tilespmem:v25+s8+$0x0], $0xffff  }
0xbd: {  	s31 =	simm.s32 $0x60;
	v25 =	vbroadcast v8, $0x6;
	v4 =	vadd.f32 v4, v15;
	v15 =	vld.idx.msk [tilespmem:v18+s8+$0x0], $0xffff;
	v18 =	vor.u32 v32, v19  }
0xbe: {  	v9 =	vsub.f32 v9, v10;
	v13 =	vadd.f32 v13, v20;
	v20 =	vmul.f32 v22, v21;
	v21 =	vld [tilespmem:s31+$0x0]  }
0xbf: {  	v26 =	vbroadcast v55, $0xB;
	v19 =	vadd.s32 v2, v19;
	v22 =	vbroadcast v8, $0x7  }
0xc0: {  	v23 =	vld.idx.msk [tilespmem:v23+s8+$0x0], $0xffff;
	v9 =	vmul.f32 v9, v25;
	v4 =	vadd.f32 v4, v13;
	v13 =	vadd.f32 v20, v14  }
0xc1: {  	v16 =	vsub.f32 v16, v12;
	v14 =	vld.idx.msk [tilespmem:v17+s8+$0x0], $0xffff;
	v17 =	vor.u32 v32, v26;
	v20 =	vadd.s32 v2, v26  }
0xc2: {  	v9 =	vadd.f32 v9, v10;
	v10 =	vbroadcast v55, $0xC;
	v4 =	vadd.f32 v4, v13  }
0xc3: {  	v16 =	vmul.f32 v16, v22;
	v13 =	vld.idx.msk [tilespmem:v18+s8+$0x0], $0xffff;
	v15 =	vsub.f32 v15, v24;
	v18 =	vadd.f32 $1.000000000e+00, v21  }
0xc4: {  	v19 =	vld.idx.msk [tilespmem:v19+s8+$0x0], $0xffff;
	v21 =	vbroadcast v8, $0x8;
	v4 =	vadd.f32 v9, v4;
	v9 =	vor.u32 v32, v10  }
0xc5: {  	v12 =	vadd.f32 v16, v12;
	v10 =	vadd.s32 v2, v10;
	v16 =	vmul.f32 $1.550000000e+01, v18  }
0xc6: {  	v15 =	vmul.f32 v15, v21;
	v14 =	vsub.f32 v14, v23;
	v18 =	vbroadcast v8, $0x9;
	v17 =	vld.idx.msk [tilespmem:v17+s8+$0x0], $0xffff  }
0xc7: {  	v7 =	vadd.f32 v11, v52;
	v11 =	vld.idx.msk [tilespmem:v20+s8+$0x0], $0xffff;
	v4 =	vadd.f32 v12, v4;
	v12 =	vmax.f32 v16, $0.0e+00  }
0xc8: {  	v15 =	vadd.f32 v15, v24;
	v16 =	vmul.f32 v14, v18;
	v12 =	vmin.f32 v12, $3.100000000e+01  }
0xc9: {  	v18 =	vbroadcast v8, $0xA;
	v19 =	vsub.f32 v19, v13;
	v9 =	vld.idx.msk [tilespmem:v9+s8+$0x0], $0xffff;
	v20 =	vtrunc.f32 v12  }
0xca: {  	v14 =	vadd.f32 v7, v6;
	v58 =	vld.idx.msk [tilespmem:v10+s8+$0x0], $0xffff;
	v10 =	vcvt.f32.s32 v20  }
0xcb: {  	v4 =	vadd.f32 v15, v4;
	v15 =	vadd.f32 v16, v23;
	v16 =	vmul.f32 v19, v18;
	v18 =	vld [tilespmem:s31+$0x10]  }
0xcc: {  	v19 =	vbroadcast v8, $0xB;
	v11 =	vsub.f32 v11, v17;
	vm12 =	vlt.s32 v10, $0x1E  }
0xcd: {  	v4 =	vadd.f32 v15, v4;
	v13 =	vadd.f32 v16, v13;
	v16 =	vld [tilespmem:s31+$0xFFFFFFE0];
	v20 =	vnsel vm12, $0x1E, v10  }
0xce: {  	v11 =	vmul.f32 v11, v19;
	v10 =	vbroadcast v8, $0xC;
	v15 =	vshll.u32 v20, $0x4  }
0xcf: {  	v4 =	vadd.f32 v13, v4;
	v13 =	vld [tilespmem:s31+$0xFFFFFFF0];
	v7 =	vsub.f32 v58, v9;
	v19 =	vbroadcast v15, $0x0  }
0xd0: {  	v11 =	vadd.f32 v11, v17;
	v17 =	vadd.f32 $1.000000000e+00, v18;
	v15 =	vadd.s32 v34, v15  }
0xd1: {  	v7 =	vmul.f32 v7, v10;
	v10 =	vbroadcast v15, $0x1;
	v18 =	vor.u32 v32, v19  }
0xd2: {  	v4 =	vadd.f32 v11, v4;
	v11 =	vadd.f32 $1.000000000e+00, v16;
	v16 =	vadd.s32 v2, v19  }
0xd3: {  	v17 =	vmul.f32 $1.550000000e+01, v17;
	v24 =	vbroadcast v15, $0x4;
	v19 =	vor.u32 v32, v10  }
0xd4: {  	v9 =	vadd.f32 v7, v9;
	v59 =	vadd.f32 $1.000000000e+00, v13;
	v21 =	vadd.s32 v2, v10  }
0xd5: {  	v13 =	vbroadcast v15, $0x2;
	v10 =	vmax.f32 v17, $0.0e+00;
	v26 =	vor.u32 v32, v24  }
0xd6: {  	v24 =	vadd.s32 v2, v24;
	v10 =	vmin.f32 v10, $3.100000000e+01;
	v17 =	vld.idx.msk [tilespmem:v18+s8+$0x0], $0xffff  }
0xd7: {  	v35 =	vadd.f32 v9, v4;
	v9 =	vbroadcast v15, $0x3;
	v23 =	vadd.s32 v2, v13;
	v16 =	vld.idx.msk [tilespmem:v16+s8+$0x0], $0xffff  }
0xd8: {  	v22 =	vtrunc.f32 v10;
	v18 =	vor.u32 v32, v13;
	v19 =	vld.idx.msk [tilespmem:v19+s8+$0x0], $0xffff  }
0xd9: {  	v22 =	vcvt.f32.s32 v22;
	v13 =	vcvt.s32.f32 v20;
	v20 =	vor.u32 v32, v9;
	v21 =	vld.idx.msk [tilespmem:v21+s8+$0x0], $0xffff  }
0xda: {  	v11 =	vmul.f32 $1.550000000e+01, v11;
	v9 =	vadd.s32 v2, v9;
	v26 =	vld.idx.msk [tilespmem:v26+s8+$0x0], $0xffff  }
0xdb: {  	v30 =	vbroadcast v15, $0x6;
	vm13 =	vlt.s32 v22, $0x1E;
	v24 =	vld.idx.msk [tilespmem:v24+s8+$0x0], $0xffff;
	v13 =	vsub.f32 v12, v13  }
0xdc: {  	v11 =	vmax.f32 v11, $0.0e+00;
	v12 =	vnsel vm13, $0x1E, v22;
	v22 =	vbroadcast v15, $0x5;
	v23 =	vld.idx.msk [tilespmem:v23+s8+$0x0], $0xffff  }
0xdd: {  	v11 =	vmin.f32 v11, $3.100000000e+01;
	v28 =	vbroadcast v13, $0x0;
	v18 =	vld.idx.msk [tilespmem:v18+s8+$0x0], $0xffff;
	v27 =	vsub.f32 v16, v17  }
0xde: {  	v31 =	vbroadcast v15, $0x7;
	v25 =	vtrunc.f32 v11;
	v29 =	vor.u32 v32, v22;
	v20 =	vld.idx.msk [tilespmem:v20+s8+$0x0], $0xffff  }
0xdf: {  	v9 =	vld.idx.msk [tilespmem:v9+s8+$0x0], $0xffff;
	v21 =	vsub.f32 v21, v19;
	v27 =	vmul.f32 v28, v27;
	v28 =	vbroadcast v13, $0x1  }
0xe0: {  	v22 =	vadd.s32 v2, v22;
	v0 =	vbroadcast v13, $0x6;
	v24 =	vsub.f32 v24, v26  }
0xe1: {  	v17 =	vadd.f32 v27, v17;
	v21 =	vmul.f32 v28, v21;
	v27 =	vor.u32 v32, v30  }
0xe2: {  	v28 =	vbroadcast v13, $0x2;
	v30 =	vadd.s32 v2, v30;
	v23 =	vsub.f32 v23, v18  }
0xe3: {  	v17 =	vadd.f32 $0.0e+00, v17;
	v19 =	vadd.f32 v21, v19;
	v21 =	vld.idx.msk [tilespmem:v29+s8+$0x0], $0xffff;
	v29 =	vbroadcast v13, $0x3  }
0xe4: {  	v9 =	vsub.f32 v9, v20;
	v23 =	vmul.f32 v28, v23;
	v28 =	vbroadcast v15, $0x8  }
0xe5: {  	v22 =	vld.idx.msk [tilespmem:v22+s8+$0x0], $0xffff;
	v17 =	vadd.f32 v17, v19;
	v19 =	vor.u32 v32, v31;
	v31 =	vadd.s32 v2, v31  }
0xe6: {  	v9 =	vmul.f32 v9, v29;
	v29 =	vbroadcast v13, $0x4;
	v18 =	vadd.f32 v23, v18  }
0xe7: {  	v16 =	vcvt.s32.f32 v12;
	v12 =	vshll.u32 v12, $0x4;
	v23 =	vbroadcast v15, $0x9;
	v27 =	vld.idx.msk [tilespmem:v27+s8+$0x0], $0xffff  }
0xe8: {  	v30 =	vld.idx.msk [tilespmem:v30+s8+$0x0], $0xffff;
	v24 =	vmul.f32 v24, v29;
	v17 =	vadd.f32 v17, v18;
	v18 =	vor.u32 v32, v28  }
0xe9: {  	v9 =	vadd.f32 v9, v20;
	v20 =	vbroadcast v15, $0xA;
	v28 =	vadd.s32 v2, v28  }
0xea: {  	v29 =	vbroadcast v13, $0x5;
	v22 =	vsub.f32 v22, v21;
	v24 =	vadd.f32 v24, v26;
	v19 =	vld.idx.msk [tilespmem:v19+s8+$0x0], $0xffff  }
0xeb: {  	v26 =	vor.u32 v32, v23;
	v23 =	vadd.s32 v2, v23;
	v9 =	vadd.f32 v17, v9;
	v31 =	vld.idx.msk [tilespmem:v31+s8+$0x0], $0xffff  }
0xec: {  	v17 =	vbroadcast v15, $0xB;
	v22 =	vmul.f32 v22, v29;
	v29 =	vor.u32 v32, v20  }
0xed: {  	v30 =	vsub.f32 v30, v27;
	v24 =	vadd.f32 v9, v24;
	v9 =	vadd.s32 v36, v12;
	v18 =	vld.idx.msk [tilespmem:v18+s8+$0x0], $0xffff  }
0xee: {  	v12 =	vadd.s32 v2, v20;
	v21 =	vadd.f32 v22, v21;
	v22 =	vbroadcast v15, $0xC;
	v20 =	vld.idx.msk [tilespmem:v28+s8+$0x0], $0xffff  }
0xef: {  	v28 =	vmul.f32 v30, v0;
	v30 =	vor.u32 v32, v17;
	v17 =	vadd.s32 v2, v17  }
0xf0: {  	v26 =	vld.idx.msk [tilespmem:v26+s8+$0x0], $0xffff;
	v21 =	vadd.f32 v24, v21;
	v24 =	vbroadcast v13, $0x7;
	v31 =	vsub.f32 v31, v19  }
0xf1: {  	v25 =	vcvt.f32.s32 v25;
	v23 =	vld.idx.msk [tilespmem:v23+s8+$0x0], $0xffff;
	v27 =	vadd.f32 v28, v27  }
0xf2: {  	v28 =	vbroadcast v15, $0xD;
	v29 =	vld.idx.msk [tilespmem:v29+s8+$0x0], $0xffff;
	v24 =	vmul.f32 v31, v24;
	v31 =	vor.u32 v32, v22  }
0xf3: {  	v0 =	vld.idx.msk [tilespmem:v12+s8+$0x0], $0xffff;
	v21 =	vadd.f32 v27, v21;
	v27 =	vbroadcast v13, $0x8;
	v20 =	vsub.f32 v20, v18  }
0xf4: {  	vm14 =	vlt.s32 v25, $0x1E;
	v22 =	vadd.s32 v2, v22;
	v19 =	vadd.f32 v24, v19  }
0xf5: {  	v12 =	vnsel vm14, $0x1E, v25;
	v25 =	vor.u32 v32, v28;
	v17 =	vld.idx.msk [tilespmem:v17+s8+$0x0], $0xffff;
	v20 =	vmul.f32 v20, v27  }
0xf6: {  	v23 =	vsub.f32 v23, v26;
	v27 =	vld.idx.msk [tilespmem:v30+s8+$0x0], $0xffff;
	v19 =	vadd.f32 v19, v21;
	v21 =	vbroadcast v13, $0x9  }
0xf7: {  	v28 =	vadd.s32 v2, v28;
	v24 =	vbroadcast v9, $0x1;
	v18 =	vadd.f32 v20, v18  }
0xf8: {  	v20 =	vbroadcast v15, $0xE;
	v30 =	vld.idx.msk [tilespmem:v31+s8+$0x0], $0xffff;
	v31 =	vsub.f32 v0, v29;
	v21 =	vmul.f32 v23, v21  }
0xf9: {  	v15 =	vbroadcast v15, $0xF;
	v22 =	vld.idx.msk [tilespmem:v22+s8+$0x0], $0xffff;
	v23 =	vbroadcast v13, $0xA;
	v18 =	vadd.f32 v18, v19  }
0xfa: {  	v19 =	vor.u32 v32, v20;
	v20 =	vadd.s32 v2, v20;
	v21 =	vadd.f32 v21, v26  }
0xfb: {  	v23 =	vmul.f32 v31, v23;
	v26 =	vbroadcast v9, $0x0;
	v17 =	vsub.f32 v17, v27  }
0xfc: {  	v25 =	vld.idx.msk [tilespmem:v25+s8+$0x0], $0xffff;
	v31 =	vbroadcast v13, $0xB;
	v18 =	vadd.f32 v21, v18;
	v21 =	vor.u32 v32, v15  }
0xfd: {  	v28 =	vld.idx.msk [tilespmem:v28+s8+$0x0], $0xffff;
	v23 =	vadd.f32 v23, v29;
	v29 =	vor.u32 v32, v26;
	v15 =	vadd.s32 v2, v15  }
0xfe: {  	v17 =	vmul.f32 v17, v31;
	v22 =	vsub.f32 v22, v30;
	v31 =	vbroadcast v13, $0xC  }
0xff: {  	v26 =	vadd.s32 v2, v26;
	v19 =	vld.idx.msk [tilespmem:v19+s8+$0x0], $0xffff  }
0x100: {  	v18 =	vadd.f32 v23, v18;
	v20 =	vld.idx.msk [tilespmem:v20+s8+$0x0], $0xffff;
	v22 =	vmul.f32 v22, v31;
	v31 =	vor.u32 v32, v24  }
0x101: {  	v17 =	vadd.f32 v17, v27;
	v27 =	vbroadcast v9, $0x2;
	v24 =	vadd.s32 v2, v24;
	v21 =	vld.idx.msk [tilespmem:v21+s8+$0x0], $0xffff  }
0x102: {  	v10 =	vsub.f32 v10, v16;
	v28 =	vsub.f32 v28, v25;
	v15 =	vld.idx.msk [tilespmem:v15+s8+$0x0], $0xffff  }
0x103: {  	v17 =	vadd.f32 v17, v18;
	v18 =	vbroadcast v13, $0xD;
	v16 =	vor.u32 v32, v27;
	v29 =	vld.idx.msk [tilespmem:v29+s8+$0x0], $0xffff  }
0x104: {  	v22 =	vadd.f32 v22, v30;
	v30 =	vbroadcast v9, $0x3;
	v27 =	vadd.s32 v2, v27;
	v26 =	vld.idx.msk [tilespmem:v26+s8+$0x0], $0xffff  }
0x105: {  	v18 =	vmul.f32 v28, v18;
	v28 =	vbroadcast v13, $0xE;
	v20 =	vsub.f32 v20, v19;
	v31 =	vld.idx.msk [tilespmem:v31+s8+$0x0], $0xffff  }
0x106: {  	v17 =	vadd.f32 v22, v17;
	v22 =	vbroadcast v9, $0xB;
	v13 =	vbroadcast v13, $0xF;
	v24 =	vld.idx.msk [tilespmem:v24+s8+$0x0], $0xffff  }
0x107: {  	v18 =	vadd.f32 v18, v25;
	v25 =	vbroadcast v9, $0x4;
	v20 =	vmul.f32 v20, v28  }
0x108: {  	v28 =	vor.u32 v32, v30;
	v30 =	vadd.s32 v2, v30;
	v16 =	vld.idx.msk [tilespmem:v16+s8+$0x0], $0xffff;
	v15 =	vsub.f32 v15, v21  }
0x109: {  	v27 =	vld.idx.msk [tilespmem:v27+s8+$0x0], $0xffff;
	v17 =	vadd.f32 v18, v17;
	v18 =	vor.u32 v32, v25;
	v25 =	vadd.s32 v2, v25  }
0x10a: {  	v19 =	vadd.f32 v20, v19;
	v20 =	vsub.f32 v26, v29;
	v13 =	vmul.f32 v15, v13  }
0x10b: {  	v26 =	vbroadcast v10, $0x0;
	v15 =	vbroadcast v9, $0x5;
	v24 =	vsub.f32 v24, v31  }
0x10c: {  	v17 =	vadd.f32 v19, v17;
	v19 =	vbroadcast v9, $0x6;
	v13 =	vadd.f32 v13, v21  }
0x10d: {  	v20 =	vmul.f32 v26, v20;
	v21 =	vor.u32 v32, v15;
	v26 =	vld.idx.msk [tilespmem:v28+s8+$0x0], $0xffff;
	v28 =	vbroadcast v10, $0x1  }
0x10e: {  	v15 =	vadd.s32 v2, v15;
	v30 =	vld.idx.msk [tilespmem:v30+s8+$0x0], $0xffff;
	v27 =	vsub.f32 v27, v16;
	v13 =	vadd.f32 v13, v17  }
0x10f: {  	v18 =	vld.idx.msk [tilespmem:v18+s8+$0x0], $0xffff;
	v17 =	vadd.f32 v20, v29;
	v20 =	vbroadcast v9, $0x7;
	v24 =	vmul.f32 v28, v24  }
0x110: {  	v25 =	vld.idx.msk [tilespmem:v25+s8+$0x0], $0xffff;
	v29 =	vor.u32 v32, v19;
	v28 =	vbroadcast v10, $0x2;
	v19 =	vadd.s32 v2, v19  }
0x111: {  	v13 =	vadd.f32 v17, v13;
	v17 =	vbroadcast v9, $0x8;
	v24 =	vadd.f32 v24, v31  }
0x112: {  	v31 =	vor.u32 v32, v20;
	v20 =	vadd.s32 v2, v20;
	v27 =	vmul.f32 v28, v27;
	v21 =	vld.idx.msk [tilespmem:v21+s8+$0x0], $0xffff  }
0x113: {  	v15 =	vld.idx.msk [tilespmem:v15+s8+$0x0], $0xffff;
	v28 =	vsub.f32 v30, v26;
	v30 =	vbroadcast v10, $0x3;
	v13 =	vadd.f32 v13, v24  }
0x114: {  	v24 =	vbroadcast v9, $0x9;
	v16 =	vadd.f32 v27, v16;
	v27 =	vor.u32 v32, v17  }
0x115: {  	v25 =	vsub.f32 v25, v18;
	v29 =	vld.idx.msk [tilespmem:v29+s8+$0x0], $0xffff;
	v28 =	vmul.f32 v28, v30;
	v30 =	vbroadcast v10, $0x4  }
0x116: {  	v17 =	vadd.s32 v2, v17;
	v19 =	vld.idx.msk [tilespmem:v19+s8+$0x0], $0xffff;
	v13 =	vadd.f32 v13, v16;
	v16 =	vbroadcast v9, $0xA  }
0x117: {  	v26 =	vadd.f32 v28, v26;
	v28 =	vor.u32 v32, v24;
	v31 =	vld.idx.msk [tilespmem:v31+s8+$0x0], $0xffff;
	v25 =	vmul.f32 v25, v30  }
0x118: {  	v24 =	vadd.s32 v2, v24;
	v20 =	vld.idx.msk [tilespmem:v20+s8+$0x0], $0xffff;
	v30 =	vbroadcast v10, $0x5;
	v15 =	vsub.f32 v15, v21  }
0x119: {  	v13 =	vadd.f32 v13, v26;
	v26 =	vor.u32 v32, v16;
	v18 =	vadd.f32 v25, v18  }
0x11a: {  	v25 =	vor.u32 v32, v22;
	v16 =	vadd.s32 v2, v16;
	v27 =	vld.idx.msk [tilespmem:v27+s8+$0x0], $0xffff;
	v15 =	vmul.f32 v15, v30  }
0x11b: {  	v17 =	vld.idx.msk [tilespmem:v17+s8+$0x0], $0xffff;
	v22 =	vadd.s32 v2, v22;
	v19 =	vsub.f32 v19, v29;
	v30 =	vbroadcast v10, $0x6  }
0x11c: {  	v13 =	vadd.f32 v13, v18;
	v18 =	vbroadcast v9, $0xC;
	v15 =	vadd.f32 v15, v21  }
0x11d: {  	v21 =	vld.idx.msk [tilespmem:v24+s8+$0x0], $0xffff;
	v20 =	vsub.f32 v20, v31;
	v24 =	vbroadcast v10, $0x7;
	v19 =	vmul.f32 v19, v30  }
0x11e: {  	v23 =	vbroadcast v9, $0xD;
	v28 =	vld.idx.msk [tilespmem:v28+s8+$0x0], $0xffff;
	v30 =	vbroadcast v9, $0xE;
	v13 =	vadd.f32 v13, v15  }
0x11f: {  	v15 =	vor.u32 v32, v18;
	v26 =	vld.idx.msk [tilespmem:v26+s8+$0x0], $0xffff;
	v19 =	vadd.f32 v19, v29;
	v20 =	vmul.f32 v20, v24  }
0x120: {  	v18 =	vadd.s32 v2, v18;
	v16 =	vld.idx.msk [tilespmem:v16+s8+$0x0], $0xffff;
	v24 =	vor.u32 v32, v23;
	v17 =	vsub.f32 v17, v27  }
0x121: {  	v23 =	vadd.s32 v2, v23;
	v25 =	vld.idx.msk [tilespmem:v25+s8+$0x0], $0xffff;
	v13 =	vadd.f32 v19, v13;
	v19 =	vadd.f32 v20, v31  }
0x122: {  	v29 =	vbroadcast v10, $0x8;
	v22 =	vld.idx.msk [tilespmem:v22+s8+$0x0], $0xffff;
	v20 =	vshll.u32 v12, $0x4;
	v31 =	vor.u32 v32, v30  }
0x123: {  	v12 =	vcvt.s32.f32 v12;
	v21 =	vsub.f32 v21, v28;
	v19 =	vadd.f32 v19, v13  }
0x124: {  	v13 =	vadd.s32 v34, v20;
	v0 =	vld.idx.msk [tilespmem:v15+s8+$0x0], $0xffff;
	v15 =	vmul.f32 v17, v29;
	v17 =	vbroadcast v10, $0x9  }
0x125: {  	v20 =	vbroadcast v20, $0x0;
	v11 =	vsub.f32 v11, v12;
	v29 =	vadd.s32 v2, v30  }
0x126: {  	v16 =	vsub.f32 v16, v26;
	v15 =	vadd.f32 v15, v27;
	v17 =	vmul.f32 v21, v17  }
0x127: {  	v18 =	vld.idx.msk [tilespmem:v18+s8+$0x0], $0xffff;
	v22 =	vsub.f32 v22, v25;
	v21 =	vbroadcast v10, $0xA;
	v27 =	vor.u32 v32, v20  }
0x128: {  	v19 =	vadd.f32 v15, v19;
	v17 =	vadd.f32 v17, v28;
	v28 =	vbroadcast v13, $0x1  }
0x129: {  	v24 =	vld.idx.msk [tilespmem:v24+s8+$0x0], $0xffff;
	v30 =	vbroadcast v10, $0xB;
	v20 =	vadd.s32 v2, v20;
	v16 =	vmul.f32 v16, v21  }
0x12a: {  	v23 =	vld.idx.msk [tilespmem:v23+s8+$0x0], $0xffff;
	v12 =	vbroadcast v13, $0x4;
	v17 =	vadd.f32 v17, v19;
	v19 =	vor.u32 v32, v28  }
0x12b: {  	v15 =	vld.idx.msk [tilespmem:v31+s8+$0x0], $0xffff;
	v16 =	vadd.f32 v16, v26;
	v26 =	vadd.s32 v2, v28;
	v28 =	vbroadcast v13, $0x2  }
0x12c: {  	v22 =	vmul.f32 v22, v30;
	v21 =	vld.idx.msk [tilespmem:v29+s8+$0x0], $0xffff;
	v18 =	vsub.f32 v18, v0;
	v29 =	vbroadcast v10, $0xC  }
0x12d: {  	v30 =	vbroadcast v10, $0xD;
	v27 =	vld.idx.msk [tilespmem:v27+s8+$0x0], $0xffff;
	v16 =	vadd.f32 v16, v17;
	v17 =	vor.u32 v32, v28  }
0x12e: {  	v22 =	vadd.f32 v22, v25;
	v18 =	vmul.f32 v18, v29;
	v20 =	vld.idx.msk [tilespmem:v20+s8+$0x0], $0xffff;
	v25 =	vadd.s32 v2, v28  }
0x12f: {  	v31 =	vbroadcast v13, $0x5;
	v23 =	vsub.f32 v23, v24;
	v28 =	vbroadcast v13, $0x3;
	v19 =	vld.idx.msk [tilespmem:v19+s8+$0x0], $0xffff  }
0x130: {  	v29 =	vbroadcast v10, $0xE;
	v18 =	vadd.f32 v18, v0;
	v16 =	vadd.f32 v22, v16;
	v22 =	vld.idx.msk [tilespmem:v26+s8+$0x0], $0xffff  }
0x131: {  	v23 =	vmul.f32 v23, v30;
	v30 =	vadd.s32 v2, v12;
	v26 =	vor.u32 v32, v28  }
0x132: {  	v21 =	vsub.f32 v21, v15;
	v16 =	vadd.f32 v18, v16;
	v18 =	vadd.s32 v2, v28;
	v17 =	vld.idx.msk [tilespmem:v17+s8+$0x0], $0xffff  }
0x133: {  	v23 =	vadd.f32 v23, v24;
	v24 =	vbroadcast v11, $0x0;
	v20 =	vsub.f32 v20, v27;
	v25 =	vld.idx.msk [tilespmem:v25+s8+$0x0], $0xffff  }
0x134: {  	v0 =	vbroadcast v11, $0x1;
	v28 =	vor.u32 v32, v12;
	v12 =	vmul.f32 v21, v29  }
0x135: {  	v29 =	vadd.s32 v2, v31;
	v20 =	vmul.f32 v24, v20;
	v22 =	vsub.f32 v22, v19  }
0x136: {  	v57 =	vbroadcast v55, $0xD;
	v21 =	vbroadcast v13, $0x6;
	v24 =	vor.u32 v32, v31;
	v26 =	vld.idx.msk [tilespmem:v26+s8+$0x0], $0xffff  }
0x137: {  	v9 =	vbroadcast v9, $0xF;
	v20 =	vadd.f32 v20, v27;
	v18 =	vld.idx.msk [tilespmem:v18+s8+$0x0], $0xffff;
	v22 =	vmul.f32 v0, v22  }
0x138: {  	v30 =	vld.idx.msk [tilespmem:v30+s8+$0x0], $0xffff;
	v31 =	vor.u32 v32, v21;
	v27 =	vbroadcast v11, $0x2;
	v25 =	vsub.f32 v25, v17  }
0x139: {  	v28 =	vld.idx.msk [tilespmem:v28+s8+$0x0], $0xffff;
	v20 =	vadd.f32 $0.0e+00, v20;
	v19 =	vadd.f32 v22, v19;
	v22 =	vbroadcast v13, $0x7  }
0x13a: {  	v21 =	vadd.s32 v2, v21;
	v60 =	vadd.f32 v23, v16;
	v16 =	vld.idx.msk [tilespmem:v29+s8+$0x0], $0xffff;
	v25 =	vmul.f32 v27, v25  }
0x13b: {  	v24 =	vld.idx.msk [tilespmem:v24+s8+$0x0], $0xffff;
	v27 =	vbroadcast v11, $0x3;
	v19 =	vadd.f32 v20, v19;
	v20 =	vor.u32 v32, v22  }
0x13c: {  	v17 =	vadd.f32 v25, v17;
	v25 =	vbroadcast v13, $0x8;
	v18 =	vsub.f32 v18, v26  }
0x13d: {  	v23 =	vbroadcast v13, $0x9;
	v0 =	vmul.f32 $1.550000000e+01, v59;
	v22 =	vadd.s32 v2, v22  }
0x13e: {  	v29 =	vld.idx.msk [tilespmem:v31+s8+$0x0], $0xffff;
	v30 =	vsub.f32 v30, v28;
	v18 =	vmul.f32 v18, v27;
	v27 =	vor.u32 v32, v25  }
0x13f: {  	v21 =	vld.idx.msk [tilespmem:v21+s8+$0x0], $0xffff;
	v17 =	vadd.f32 v19, v17;
	v19 =	vbroadcast v11, $0x4;
	v25 =	vadd.s32 v2, v25  }
0x140: {  	v16 =	vsub.f32 v16, v24;
	v18 =	vadd.f32 v18, v26;
	v26 =	vor.u32 v32, v23  }
0x141: {  	v19 =	vmul.f32 v30, v19;
	v30 =	vbroadcast v11, $0x5;
	v23 =	vadd.s32 v2, v23;
	v20 =	vld.idx.msk [tilespmem:v20+s8+$0x0], $0xffff  }
0x142: {  	v31 =	vmax.f32 v0, $0.0e+00;
	v22 =	vld.idx.msk [tilespmem:v22+s8+$0x0], $0xffff;
	v17 =	vadd.f32 v17, v18;
	v18 =	vbroadcast v13, $0xA  }
0x143: {  	v31 =	vmin.f32 v31, $3.100000000e+01;
	v19 =	vadd.f32 v19, v28;
	v16 =	vmul.f32 v16, v30;
	v27 =	vld.idx.msk [tilespmem:v27+s8+$0x0], $0xffff  }
0x144: {  	v21 =	vsub.f32 v21, v29;
	v28 =	vbroadcast v11, $0x6;
	v25 =	vld.idx.msk [tilespmem:v25+s8+$0x0], $0xffff;
	v30 =	vor.u32 v32, v18  }
0x145: {  	v17 =	vadd.f32 v17, v19;
	v19 =	vbroadcast v13, $0xB;
	v16 =	vadd.f32 v16, v24;
	v26 =	vld.idx.msk [tilespmem:v26+s8+$0x0], $0xffff  }
0x146: {  	v18 =	vadd.s32 v2, v18;
	v24 =	vbroadcast v11, $0x7;
	v21 =	vmul.f32 v21, v28;
	v23 =	vld.idx.msk [tilespmem:v23+s8+$0x0], $0xffff  }
0x147: {  	v22 =	vsub.f32 v22, v20;
	v28 =	vor.u32 v32, v19;
	v16 =	vadd.f32 v17, v16  }
0x148: {  	v17 =	vtrunc.f32 v31;
	v21 =	vadd.f32 v21, v29;
	v29 =	vbroadcast v11, $0x8  }
0x149: {  	v19 =	vadd.s32 v2, v19;
	v22 =	vmul.f32 v22, v24;
	v24 =	vbroadcast v13, $0xC  }
0x14a: {  	v25 =	vsub.f32 v25, v27;
	v16 =	vadd.f32 v21, v16;
	v21 =	vbroadcast v11, $0x9;
	v30 =	vld.idx.msk [tilespmem:v30+s8+$0x0], $0xffff  }
0x14b: {  	v18 =	vld.idx.msk [tilespmem:v18+s8+$0x0], $0xffff;
	v20 =	vadd.f32 v22, v20;
	v22 =	vor.u32 v32, v24;
	v23 =	vsub.f32 v23, v26  }
0x14c: {  	v24 =	vadd.s32 v2, v24;
	v25 =	vmul.f32 v25, v29;
	v29 =	vbroadcast v13, $0xD  }
0x14d: {  	v10 =	vbroadcast v10, $0xF;
	v17 =	vcvt.f32.s32 v17;
	v28 =	vld.idx.msk [tilespmem:v28+s8+$0x0], $0xffff  }
0x14e: {  	v19 =	vld.idx.msk [tilespmem:v19+s8+$0x0], $0xffff;
	v16 =	vadd.f32 v20, v16;
	v20 =	vmul.f32 v23, v21;
	v21 =	vor.u32 v32, v29  }
0x14f: {  	v12 =	vadd.f32 v12, v15;
	v23 =	vadd.s32 v2, v29;
	v25 =	vadd.f32 v25, v27  }
0x150: {  	vm15 =	vlt.s32 v17, $0x1E;
	v27 =	vbroadcast v11, $0xA;
	v18 =	vsub.f32 v18, v30;
	v22 =	vld.idx.msk [tilespmem:v22+s8+$0x0], $0xffff  }
0x151: {  	v20 =	vadd.f32 v20, v26;
	v16 =	vadd.f32 v25, v16;
	v25 =	vor.u32 v32, v9;
	v24 =	vld.idx.msk [tilespmem:v24+s8+$0x0], $0xffff  }
0x152: {  	v9 =	vadd.s32 v2, v9;
	v18 =	vmul.f32 v18, v27;
	v27 =	vbroadcast v13, $0xE  }
0x153: {  	v19 =	vsub.f32 v19, v28;
	v16 =	vadd.f32 v20, v16;
	v20 =	vbroadcast v11, $0xB;
	v21 =	vld.idx.msk [tilespmem:v21+s8+$0x0], $0xffff  }
0x154: {  	v17 =	vnsel vm15, $0x1E, v17;
	v13 =	vbroadcast v13, $0xF;
	v23 =	vld.idx.msk [tilespmem:v23+s8+$0x0], $0xffff;
	v29 =	vor.u32 v32, v27  }
0x155: {  	v18 =	vadd.f32 v18, v30;
	v27 =	vadd.s32 v2, v27;
	v19 =	vmul.f32 v19, v20  }
0x156: {  	v20 =	vshll.u32 v17, $0x4;
	v30 =	vbroadcast v11, $0xC;
	v24 =	vsub.f32 v24, v22  }
0x157: {  	v25 =	vld.idx.msk [tilespmem:v25+s8+$0x0], $0xffff;
	v18 =	vadd.f32 v18, v16;
	v16 =	vadd.s32 v36, v20;
	v20 =	vor.u32 v32, v13  }
0x158: {  	v9 =	vld.idx.msk [tilespmem:v9+s8+$0x0], $0xffff;
	v19 =	vadd.f32 v19, v28;
	v13 =	vadd.s32 v2, v13;
	v28 =	vbroadcast v16, $0x0  }
0x159: {  	v26 =	vbroadcast v55, $0xE;
	v24 =	vmul.f32 v24, v30;
	v15 =	vsub.f32 v23, v21;
	v29 =	vld.idx.msk [tilespmem:v29+s8+$0x0], $0xffff  }
0x15a: {  	v23 =	vbroadcast v11, $0xD;
	v18 =	vadd.f32 v19, v18;
	v27 =	vld.idx.msk [tilespmem:v27+s8+$0x0], $0xffff;
	v19 =	vor.u32 v32, v28  }
0x15b: {  	v28 =	vadd.s32 v2, v28;
	v22 =	vadd.f32 v24, v22;
	v24 =	vbroadcast v16, $0x1  }
0x15c: {  	v6 =	vadd.s32 v2, v57;
	v17 =	vcvt.s32.f32 v17;
	v15 =	vmul.f32 v15, v23;
	v20 =	vld.idx.msk [tilespmem:v20+s8+$0x0], $0xffff  }
0x15d: {  	v9 =	vsub.f32 v9, v25;
	v13 =	vld.idx.msk [tilespmem:v13+s8+$0x0], $0xffff;
	v18 =	vadd.f32 v22, v18;
	v22 =	vor.u32 v32, v24  }
0x15e: {  	v24 =	vadd.s32 v2, v24;
	v15 =	vadd.f32 v15, v21;
	v21 =	vbroadcast v16, $0x2  }
0x15f: {  	v9 =	vmul.f32 v9, v10;
	v10 =	vbroadcast v11, $0xE;
	v19 =	vld.idx.msk [tilespmem:v19+s8+$0x0], $0xffff;
	v27 =	vsub.f32 v27, v29  }
0x160: {  	v23 =	vor.u32 v32, v57;
	v18 =	vadd.f32 v15, v18;
	v30 =	vor.u32 v32, v21;
	v28 =	vld.idx.msk [tilespmem:v28+s8+$0x0], $0xffff  }
0x161: {  	v21 =	vadd.s32 v2, v21;
	v10 =	vmul.f32 v27, v10;
	v27 =	vbroadcast v16, $0x3  }
0x162: {  	v11 =	vbroadcast v11, $0xF;
	v15 =	vsub.f32 v31, v17;
	v13 =	vsub.f32 v13, v20;
	v17 =	vld.idx.msk [tilespmem:v22+s8+$0x0], $0xffff  }
0x163: {  	v31 =	vbroadcast v55, $0xF;
	v24 =	vld.idx.msk [tilespmem:v24+s8+$0x0], $0xffff;
	v10 =	vadd.f32 v10, v29;
	v29 =	vor.u32 v32, v27  }
0x164: {  	v27 =	vadd.s32 v2, v27;
	v11 =	vmul.f32 v13, v11;
	v13 =	vbroadcast v16, $0x4  }
0x165: {  	v30 =	vld.idx.msk [tilespmem:v30+s8+$0x0], $0xffff;
	v28 =	vsub.f32 v28, v19;
	v10 =	vadd.f32 v10, v18;
	v18 =	vbroadcast v15, $0x0  }
0x166: {  	v22 =	vor.u32 v32, v26;
	v21 =	vld.idx.msk [tilespmem:v21+s8+$0x0], $0xffff;
	v11 =	vadd.f32 v11, v20;
	v20 =	vor.u32 v32, v13  }
0x167: {  	v13 =	vadd.s32 v2, v13;
	v18 =	vmul.f32 v18, v28;
	v28 =	vbroadcast v16, $0x5  }
0x168: {  	v10 =	vadd.f32 v11, v10;
	v11 =	vbroadcast v15, $0x1;
	v24 =	vsub.f32 v24, v17;
	v29 =	vld.idx.msk [tilespmem:v29+s8+$0x0], $0xffff  }
0x169: {  	v62 =	vbroadcast v15, $0x2;
	v61 =	vadd.f32 v18, v19;
	v18 =	vor.u32 v32, v28;
	v19 =	vld.idx.msk [tilespmem:v27+s8+$0x0], $0xffff  }
0x16a: {  	v37 =	vld.idx.msk [tilespmem:v23+s8+$0x0], $0xffff;
	v27 =	vadd.s32 v2, v28;
	v11 =	vmul.f32 v11, v24;
	v24 =	vbroadcast v16, $0x6  }
0x16b: {  	v26 =	vadd.s32 v2, v26;
	v28 =	vadd.f32 v12, v60;
	v12 =	vld.idx.msk [tilespmem:v20+s8+$0x0], $0xffff;
	v20 =	vsub.f32 v21, v30  }
0x16c: {  	v13 =	vld.idx.msk [tilespmem:v13+s8+$0x0], $0xffff;
	v21 =	vbroadcast v16, $0x7;
	v5 =	vadd.f32 v61, v10;
	v10 =	vor.u32 v32, v24  }
0x16d: {  	v39 =	vld.idx.msk [tilespmem:v22+s8+$0x0], $0xffff;
	v11 =	vadd.f32 v11, v17;
	v17 =	vadd.s32 v2, v24;
	v7 =	vmul.f32 v62, v20  }
0x16e: {  	v22 =	vbroadcast v15, $0x6;
	v20 =	vbroadcast v15, $0x3;
	v18 =	vld.idx.msk [tilespmem:v18+s8+$0x0], $0xffff;
	v19 =	vsub.f32 v19, v29  }
0x16f: {  	v11 =	vadd.f32 v5, v11;
	v7 =	vadd.f32 v7, v30;
	v30 =	vor.u32 v32, v21;
	v27 =	vld.idx.msk [tilespmem:v27+s8+$0x0], $0xffff  }
0x170: {  	v26 =	vld.idx.msk [tilespmem:v26+s8+$0x0], $0xffff;
	v21 =	vadd.s32 v2, v21;
	v19 =	vmul.f32 v19, v20;
	v20 =	vbroadcast v16, $0x8  }
0x171: {  	v7 =	vadd.f32 v11, v7;
	v11 =	vbroadcast v15, $0x4;
	v23 =	vld.idx.msk [tilespmem:v10+s8+$0x0], $0xffff;
	v10 =	vsub.f32 v13, v12  }
0x172: {  	v24 =	vor.u32 v32, v31;
	v17 =	vld.idx.msk [tilespmem:v17+s8+$0x0], $0xffff;
	v19 =	vadd.f32 v19, v29;
	v29 =	vor.u32 v32, v20  }
0x173: {  	v63 =	vadd.s32 v2, v20;
	v10 =	vmul.f32 v10, v11;
	v11 =	vbroadcast v16, $0x9  }
0x174: {  	v20 =	vadd.f32 v9, v25;
	v9 =	vbroadcast v15, $0x5;
	v25 =	vld.idx.msk [tilespmem:v30+s8+$0x0], $0xffff;
	v27 =	vsub.f32 v27, v18  }
0x175: {  	v13 =	vadd.s32 v2, v31;
	v21 =	vld.idx.msk [tilespmem:v21+s8+$0x0], $0xffff;
	v19 =	vadd.f32 v7, v19;
	v30 =	vor.u32 v32, v11  }
0x176: {  	v31 =	vld.idx.msk [tilespmem:v6+s8+$0x0], $0xffff;
	v10 =	vadd.f32 v10, v12;
	v11 =	vadd.s32 v2, v11;
	v9 =	vmul.f32 v27, v9  }
0x177: {  	v42 =	vsub.f32 v26, v39;
	v12 =	vbroadcast v16, $0xA;
	v17 =	vsub.f32 v17, v23;
	v27 =	vld.idx.msk [tilespmem:v29+s8+$0x0], $0xffff  }
0x178: {  	v41 =	vbroadcast v8, $0xE;
	v19 =	vadd.f32 v19, v10;
	v18 =	vadd.f32 v9, v18;
	v29 =	vld.idx.msk [tilespmem:v63+s8+$0x0], $0xffff  }
0x179: {  	v38 =	vld.idx.msk [tilespmem:v24+s8+$0x0], $0xffff;
	v0 =	vadd.s32 v2, v12;
	v17 =	vmul.f32 v17, v22;
	v22 =	vor.u32 v32, v12  }
0x17a: {  	v21 =	vsub.f32 v21, v25;
	v18 =	vadd.f32 v19, v18;
	v19 =	vbroadcast v15, $0x7;
	v30 =	vld.idx.msk [tilespmem:v30+s8+$0x0], $0xffff  }
0x17b: {  	v40 =	vbroadcast v8, $0xF;
	v20 =	vadd.f32 v20, v28;
	v12 =	vsub.f32 v31, v37;
	v24 =	vld.idx.msk [tilespmem:v11+s8+$0x0], $0xffff  }
0x17c: {  	v17 =	vadd.f32 v17, v23;
	v23 =	vbroadcast v16, $0xB;
	v19 =	vmul.f32 v21, v19  }
0x17d: {  	v13 =	vld.idx.msk [tilespmem:v13+s8+$0x0], $0xffff;
	v31 =	vbroadcast v15, $0x8;
	v21 =	vbroadcast v16, $0xC;
	v29 =	vsub.f32 v29, v27  }
0x17e: {  	v18 =	vadd.f32 v17, v18;
	v17 =	vld.idx.msk [tilespmem:v22+s8+$0x0], $0xffff;
	v19 =	vadd.f32 v19, v25;
	v25 =	vor.u32 v32, v23  }
0x17f: {  	v22 =	vadd.s32 v2, v23;
	v23 =	vld.idx.msk [tilespmem:v0+s8+$0x0], $0xffff;
	v26 =	vmul.f32 v29, v31;
	v29 =	vor.u32 v32, v21  }
0x180: {  	v31 =	vadd.s32 v2, v21;
	v21 =	vbroadcast v16, $0xD;
	v24 =	vsub.f32 v24, v30  }
0x181: {  	v19 =	vadd.f32 v19, v18;
	v26 =	vadd.f32 v26, v27;
	v27 =	vbroadcast v15, $0x9  }
0x182: {  	v10 =	vbroadcast v8, $0xD;
	v13 =	vsub.f32 v13, v38;
	v0 =	vor.u32 v32, v21  }
0x183: {  	s11 =	simm.s32 $0x4810;
	v18 =	vld.idx.msk [tilespmem:v25+s8+$0x0], $0xffff;
	v25 =	vmul.f32 v24, v27;
	v27 =	vbroadcast v16, $0xE;
	v33 =	vadd.f32 v26, v19  }
0x184: {  	s12 =	simm.s32 $0x4830;
	[tilespmem:s11+$0x0] =	vst v14;
	v24 =	vld.idx.msk [tilespmem:v22+s8+$0x0], $0xffff;
	v22 =	vbroadcast v15, $0xA;
	v19 =	vadd.s32 v2, v21;
	v23 =	vsub.f32 v23, v17  }
0x185: {  	[tilespmem:s12+$0x0] =	vst v20;
	v26 =	vbroadcast v15, $0xB;
	v14 =	vld.idx.msk [tilespmem:v29+s8+$0x0], $0xffff;
	v29 =	vadd.f32 v25, v30;
	v30 =	vbroadcast v16, $0xF  }
0x186: {  	v21 =	vor.u32 v32, v27;
	v25 =	vld.idx.msk [tilespmem:v31+s8+$0x0], $0xffff;
	v20 =	vadd.s32 v2, v27;
	v28 =	vmul.f32 v23, v22  }
0x187: {  	s13 =	simm.s32 $0x2;
	s14 =	simm.s32 $0xA0;
	v16 =	vld.idx.msk [tilespmem:v0+s8+$0x0], $0xffff;
	v27 =	vadd.f32 v29, v33;
	v23 =	vor.u32 v32, v30;
	v22 =	vadd.s32 v2, v30  }
.LBB2_2:
0x188: {  	v29 =	vld [tilespmem:s14+$0x10]  }
0x189: {  	v30 =	vld [tilespmem:s14+$0x0];
	v3 =	vbroadcast v15, $0xD  }
0x18a: {  	v17 =	vadd.f32 v28, v17  }
0x18b: {  	v31 =	vld [tilespmem:s14+$0xFFFFFFE0];
	v28 =	vbroadcast v15, $0xC;
	[tilespmem:$0x1FFE0] =	vst v3;
	v3 =	vbroadcast v15, $0xF;
	v24 =	vsub.f32 v24, v18  }
0x18c: {  	v17 =	vadd.f32 v17, v27;
	v12 =	vmul.f32 v12, v10;
	v11 =	vmul.f32 v42, v41  }
0x18d: {  	v27 =	vld [tilespmem:s14+$0xFFFFFFF0];
	v25 =	vsub.f32 v25, v14;
	v33 =	vmul.f32 v13, v40;
	v24 =	vmul.f32 v24, v26  }
0x18e: {  	v13 =	vadd.f32 $1.000000000e+00, v29;
	v4 =	vadd.f32 $1.000000000e+00, v30;
	v26 =	vbroadcast v15, $0xE  }
0x18f: {  	v5 =	vadd.f32 v12, v37;
	v15 =	vmul.f32 v25, v28;
	v12 =	vadd.f32 v24, v18  }
0x190: {  	v1 =	vmovc v16;
	v16 =	vadd.f32 $1.000000000e+00, v31;
	v62 =	vadd.f32 v11, v39;
	v13 =	vmul.f32 $1.550000000e+01, v13  }
0x191: {  	v14 =	vadd.f32 v15, v14;
	v12 =	vadd.f32 v12, v17;
	v17 =	vmul.f32 $1.550000000e+01, v4  }
0x192: {  	v7 =	vmul.f32 $1.550000000e+01, v16;
	v0 =	vmovc v26;
	v15 =	vadd.f32 $1.000000000e+00, v27;
	v11 =	vmax.f32 v13, $0.0e+00  }
0x193: {  	[tilespmem:$0x1FEB0] =	vst v0;
	v37 =	vmin.f32 v11, $3.100000000e+01;
	v0 =	vadd.f32 v14, v12;
	v13 =	vmax.f32 v17, $0.0e+00  }
0x194: {  	v11 =	vmax.f32 v7, $0.0e+00;
	v12 =	vmul.f32 $1.550000000e+01, v15;
	v39 =	vmin.f32 v13, $3.100000000e+01  }
0x195: {  	v13 =	vtrunc.f32 v37;
	[tilespmem:$0x1FEF0] =	vst v0;
	v0 =	vmin.f32 v11, $3.100000000e+01;
	v11 =	vtrunc.f32 v39  }
0x196: {  	v13 =	vcvt.f32.s32 v13;
	v12 =	vmax.f32 v12, $0.0e+00;
	v11 =	vcvt.f32.s32 v11  }
0x197: {  	[tilespmem:$0x1FFA0] =	vst v0;
	v14 =	vtrunc.f32 v0;
	v0 =	vmin.f32 v12, $3.100000000e+01  }
0x198: {  	v15 =	vcvt.f32.s32 v14;
	vm0 =	vlt.s32 v13, $0x1E;
	vm1 =	vlt.s32 v11, $0x1E  }
0x199: {  	[tilespmem:$0x1FFC0] =	vst v0;
	v0 =	vtrunc.f32 v0;
	v12 =	vnsel vm0, $0x1E, v13;
	v11 =	vnsel vm1, $0x1E, v11  }
0x19a: {  	v41 =	vcvt.s32.f32 v12;
	v12 =	vshll.u32 v12, $0x4;
	v44 =	vshll.u32 v11, $0x4  }
0x19b: {  	v43 =	vcvt.s32.f32 v11;
	v46 =	vadd.s32 v36, v12;
	v48 =	vbroadcast v44, $0x0  }
0x19c: {  	v19 =	vld.idx.msk [tilespmem:v19+s8+$0x0], $0xffff;
	[tilespmem:$0x1FE90] =	vst v3;
	v3 =	vbroadcast v46, $0xF;
	v6 =	vbroadcast v46, $0xD  }
0x19d: {  	v18 =	vld.idx.msk [tilespmem:v21+s8+$0x0], $0xffff;
	v25 =	vadd.f32 v5, v35;
	v4 =	vbroadcast v46, $0xE;
	v8 =	vbroadcast v46, $0xB  }
0x19e: {  	v29 =	vld.idx.msk [tilespmem:v20+s8+$0x0], $0xffff;
	vm14 =	vlt.s32 v15, $0x1E;
	v7 =	vbroadcast v46, $0xC;
	v10 =	vbroadcast v46, $0x9  }
0x19f: {  	v31 =	vld.idx.msk [tilespmem:v23+s8+$0x0], $0xffff;
	[tilespmem:$0x1FFB0] =	vst v0;
	v0 =	vnsel vm14, $0x1E, v15;
	v9 =	vbroadcast v46, $0xA;
	v28 =	vbroadcast v46, $0x7  }
0x1a0: {  	v27 =	vld.idx.msk [tilespmem:v22+s8+$0x0], $0xffff;
	[tilespmem:$0x1FF90] =	vst v0;
	v0 =	vshll.u32 v0, $0x4;
	v30 =	vbroadcast v46, $0x8;
	v24 =	vbroadcast v46, $0x5  }
0x1a1: {  	v26 =	vbroadcast v46, $0x6;
	[tilespmem:$0x1FF60] =	vst v0;
	v15 =	vadd.s32 v34, v0;
	v0 =	vsub.f32 v19, v1  }
0x1a2: {  	v63 =	vmovc v18;
	v22 =	vbroadcast v46, $0x3;
	v23 =	vbroadcast v46, $0x4;
	v19 =	vadd.f32 v62, v25  }
0x1a3: {  	v16 =	vbroadcast v46, $0x1;
	v25 =	vadd.f32 v33, v38;
	[tilespmem:$0x1FFF0] =	vst v0;
	v0 =	vsub.f32 v29, v63  }
0x1a4: {  	v18 =	vbroadcast v46, $0x2;
	v49 =	vbroadcast v46, $0x0  }
0x1a5: {  	v25 =	vadd.f32 v25, v19;
	[tilespmem:$0x1FEA0] =	vst v0;
	v0 =	vsub.f32 v27, v31;
	v27 =	vadd.s32 v34, v44  }
0x1a6: {  	v19 =	vsub.f32 v37, v41;
	v37 =	vor.u32 v32, v48;
	v51 =	vbroadcast v27, $0xF  }
0x1a7: {  	[tilespmem:$0x1FED0] =	vst v1;
	v41 =	vadd.s32 v2, v48;
	v54 =	vbroadcast v27, $0xD;
	v53 =	vbroadcast v27, $0xE  }
0x1a8: {  	[tilespmem:$0x1FEC0] =	vst v63;
	v48 =	vor.u32 v32, v23;
	v58 =	vbroadcast v27, $0xB;
	v57 =	vbroadcast v27, $0xC  }
0x1a9: {  	[tilespmem:$0x1FF40] =	vst v3;
	v44 =	vsub.f32 v39, v43;
	v59 =	vbroadcast v27, $0x9;
	v60 =	vbroadcast v27, $0xA  }
0x1aa: {  	[tilespmem:$0x1FF00] =	vst v6;
	v39 =	vor.u32 v32, v30;
	v61 =	vbroadcast v27, $0x7;
	v62 =	vbroadcast v27, $0x8  }
0x1ab: {  	[tilespmem:$0x1FF20] =	vst v4;
	v43 =	vor.u32 v32, v26;
	v63 =	vbroadcast v27, $0x5;
	v1 =	vbroadcast v27, $0x6  }
0x1ac: {  	[tilespmem:s11+$0xFFFFFFF0] =	vst v25;
	v25 =	vor.u32 v32, v18;
	v46 =	vbroadcast v27, $0x3;
	v47 =	vbroadcast v27, $0x1  }
0x1ad: {  	v20 =	vmovc v36;
	v35 =	vmovc v7;
	v55 =	vbroadcast v27, $0x4;
	v52 =	vbroadcast v27, $0x2;
	[tilespmem:$0x1FFD0] =	vst v0;
	v0 =	vor.u32 v32, v4  }
0x1ae: {  	v45 =	vor.u32 v32, v46;
	[tilespmem:$0x1FF70] =	vst v0;
	v0 =	vor.u32 v32, v3;
	v50 =	vor.u32 v32, v47  }
0x1af: {  	v56 =	vadd.s32 v2, v47;
	v3 =	vld.idx.msk [tilespmem:v37+s8+$0x0], $0xffff;
	v4 =	vor.u32 v32, v52;
	v37 =	vor.u32 v32, v10  }
0x1b0: {  	v27 =	vmovc v10;
	v10 =	vadd.s32 v2, v46;
	v46 =	vor.u32 v32, v24;
	v12 =	vor.u32 v32, v55  }
0x1b1: {  	v47 =	vadd.s32 v2, v55;
	v55 =	vor.u32 v32, v16;
	[tilespmem:$0x1FF80] =	vst v0;
	v0 =	vor.u32 v32, v7  }
0x1b2: {  	v29 =	vmov v31;
	v14 =	vor.u32 v32, v53;
	[tilespmem:$0x1FF30] =	vst v0;
	v0 =	vor.u32 v32, v6;
	v6 =	vld.idx.msk [tilespmem:v41+s8+$0x0], $0xffff  }
0x1b3: {  	v31 =	vmov v9;
	v17 =	vor.u32 v32, v51;
	[tilespmem:$0x1FF50] =	vst v0;
	v0 =	vor.u32 v32, v9;
	v9 =	vld.idx.msk [tilespmem:v45+s8+$0x0], $0xffff  }
0x1b4: {  	v7 =	vor.u32 v32, v63;
	v63 =	vadd.s32 v2, v63;
	v41 =	vor.u32 v32, v28;
	v11 =	vld.idx.msk [tilespmem:v50+s8+$0x0], $0xffff  }
0x1b5: {  	v33 =	vmov v8;
	[tilespmem:$0x1FEE0] =	vst v0;
	v0 =	vor.u32 v32, v8;
	v8 =	vadd.s32 v2, v52;
	v13 =	vld.idx.msk [tilespmem:v56+s8+$0x0], $0xffff  }
0x1b6: {  	v21 =	vmovc v34;
	[tilespmem:$0x1FF10] =	vst v0;
	v50 =	vor.u32 v32, v22;
	v56 =	vor.u32 v32, v49;
	v4 =	vld.idx.msk [tilespmem:v4+s8+$0x0], $0xffff;
	v0 =	vlaneseq.u32  }
0x1b7: {  	v10 =	vld.idx.msk [tilespmem:v10+s8+$0x0], $0xffff;
	v32 =	vor.u32 v0, v57;
	v34 =	vor.u32 v0, v54;
	v52 =	vor.u32 v0, v1  }
0x1b8: {  	v12 =	vld.idx.msk [tilespmem:v12+s8+$0x0], $0xffff;
	v36 =	vor.u32 v0, v60;
	v38 =	vor.u32 v0, v58;
	v1 =	vadd.s32 v2, v1  }
0x1b9: {  	v5 =	vld.idx.msk [tilespmem:v47+s8+$0x0], $0xffff;
	v42 =	vor.u32 v0, v61;
	v45 =	vor.u32 v0, v59;
	v0 =	vor.u32 v0, v62  }
0x1ba: {  	v7 =	vld.idx.msk [tilespmem:v7+s8+$0x0], $0xffff  }
0x1bb: {  	v40 =	vbroadcast v44, $0x0;
	v62 =	vadd.s32 v2, v62;
	v6 =	vsub.f32 v6, v3;
	v8 =	vld.idx.msk [tilespmem:v8+s8+$0x0], $0xffff  }
0x1bc: {  	v61 =	vadd.s32 v2, v61;
	v63 =	vld.idx.msk [tilespmem:v63+s8+$0x0], $0xffff  }
0x1bd: {  	v6 =	vmul.f32 v40, v6;
	v40 =	vbroadcast v44, $0x1;
	v13 =	vsub.f32 v13, v11;
	v1 =	vld.idx.msk [tilespmem:v1+s8+$0x0], $0xffff  }
0x1be: {  	v47 =	vbroadcast v44, $0x2;
	v10 =	vsub.f32 v10, v9;
	v5 =	vsub.f32 v5, v12;
	v0 =	vld.idx.msk [tilespmem:v0+s8+$0x0], $0xffff  }
0x1bf: {  	v3 =	vadd.f32 v6, v3;
	v6 =	vmul.f32 v40, v13;
	v13 =	vld.idx.msk [tilespmem:v52+s8+$0x0], $0xffff;
	v52 =	vadd.s32 v2, v59  }
0x1c0: {  	v40 =	vbroadcast v44, $0x3;
	v59 =	vadd.s32 v2, v60;
	v60 =	vld.idx.msk [tilespmem:v62+s8+$0x0], $0xffff;
	v8 =	vsub.f32 v8, v4  }
0x1c1: {  	v3 =	vadd.f32 $0.0e+00, v3;
	v6 =	vadd.f32 v6, v11;
	v11 =	vld.idx.msk [tilespmem:v42+s8+$0x0], $0xffff;
	v42 =	vbroadcast v44, $0x4  }
0x1c2: {  	v58 =	vadd.s32 v2, v58;
	v8 =	vmul.f32 v47, v8;
	v47 =	vld.idx.msk [tilespmem:v61+s8+$0x0], $0xffff  }
0x1c3: {  	v3 =	vadd.f32 v3, v6;
	v61 =	vmul.f32 v10, v40;
	v5 =	vmul.f32 v5, v42;
	v6 =	vld.idx.msk [tilespmem:v45+s8+$0x0], $0xffff  }
0x1c4: {  	v10 =	vbroadcast v44, $0x5;
	v42 =	vld.idx.msk [tilespmem:v52+s8+$0x0], $0xffff;
	v4 =	vadd.f32 v8, v4;
	v8 =	vsub.f32 v63, v7  }
0x1c5: {  	v62 =	vadd.f32 v5, v12;
	v5 =	vld.idx.msk [tilespmem:v38+s8+$0x0], $0xffff  }
0x1c6: {  	v45 =	vadd.s32 v2, v57;
	v52 =	vadd.s32 v2, v54;
	v63 =	vmul.f32 v8, v10;
	v8 =	vld.idx.msk [tilespmem:v36+s8+$0x0], $0xffff  }
0x1c7: {  	v57 =	vsub.f32 v60, v0;
	v60 =	vadd.s32 v2, v53;
	v53 =	vadd.s32 v2, v49;
	v36 =	vld.idx.msk [tilespmem:v59+s8+$0x0], $0xffff  }
0x1c8: {  	v61 =	vadd.f32 v61, v9;
	v3 =	vadd.f32 v3, v4;
	v59 =	vld.idx.msk [tilespmem:v58+s8+$0x0], $0xffff  }
0x1c9: {  	v1 =	vsub.f32 v1, v13;
	v9 =	vbroadcast v44, $0x6;
	v10 =	vsub.f32 v47, v11;
	v47 =	vld [tilespmem:$0x1FF50]  }
0x1ca: {  	v3 =	vadd.f32 v3, v61;
	v54 =	vadd.f32 v63, v7;
	v63 =	vadd.s32 v2, v51;
	v51 =	vld.idx.msk [tilespmem:v34+s8+$0x0], $0xffff  }
0x1cb: {  	v12 =	vbroadcast v44, $0x7;
	v52 =	vld.idx.msk [tilespmem:v52+s8+$0x0], $0xffff  }
0x1cc: {  	v1 =	vmul.f32 v1, v9;
	v58 =	vld.idx.msk [tilespmem:v53+s8+$0x0], $0xffff;
	v3 =	vadd.f32 v3, v62  }
0x1cd: {  	v9 =	vbroadcast v44, $0x8;
	v61 =	vmul.f32 v10, v12;
	v10 =	vld.idx.msk [tilespmem:v32+s8+$0x0], $0xffff  }
0x1ce: {  	v1 =	vadd.f32 v1, v13;
	v62 =	vld.idx.msk [tilespmem:v45+s8+$0x0], $0xffff;
	v3 =	vadd.f32 v3, v54  }
0x1cf: {  	v12 =	vsub.f32 v42, v6;
	v45 =	vmul.f32 v57, v9;
	v57 =	vld.idx.msk [tilespmem:v17+s8+$0x0], $0xffff  }
0x1d0: {  	v13 =	vbroadcast v44, $0x9;
	v54 =	vld.idx.msk [tilespmem:v14+s8+$0x0], $0xffff;
	v1 =	vadd.f32 v1, v3;
	v3 =	vadd.f32 v61, v11  }
0x1d1: {  	v9 =	vsub.f32 v36, v8;
	v0 =	vadd.f32 v45, v0;
	v14 =	vld.idx.msk [tilespmem:v60+s8+$0x0], $0xffff  }
0x1d2: {  	v60 =	vld.idx.msk [tilespmem:v50+s8+$0x0], $0xffff;
	v11 =	vbroadcast v44, $0xA;
	v1 =	vadd.f32 v3, v1;
	v3 =	vmul.f32 v12, v13  }
0x1d3: {  	v16 =	vadd.s32 v2, v16;
	v45 =	vld [tilespmem:$0x1FEE0];
	v12 =	vsub.f32 v59, v5;
	v13 =	vbroadcast v44, $0xB  }
0x1d4: {  	v17 =	vld.idx.msk [tilespmem:v63+s8+$0x0], $0xffff;
	v0 =	vadd.f32 v0, v1;
	v1 =	vadd.f32 v3, v6;
	v3 =	vmul.f32 v9, v11  }
0x1d5: {  	v18 =	vadd.s32 v2, v18;
	v63 =	vld.idx.msk [tilespmem:v41+s8+$0x0], $0xffff;
	v9 =	vsub.f32 v62, v10;
	v11 =	vbroadcast v44, $0xC  }
0x1d6: {  	v61 =	vld.idx.msk [tilespmem:v48+s8+$0x0], $0xffff;
	v0 =	vadd.f32 v1, v0;
	v1 =	vadd.f32 v3, v8;
	v3 =	vmul.f32 v12, v13  }
0x1d7: {  	v36 =	vmovc v20;
	v20 =	vadd.s32 v2, v22;
	v48 =	vld [tilespmem:$0x1FF80];
	v12 =	vsub.f32 v52, v51;
	v13 =	vbroadcast v44, $0xD  }
0x1d8: {  	v8 =	vld.idx.msk [tilespmem:v56+s8+$0x0], $0xffff;
	v0 =	vadd.f32 v1, v0;
	v1 =	vadd.f32 v3, v5;
	v3 =	vmul.f32 v9, v11  }
0x1d9: {  	v9 =	vsub.f32 v14, v54;
	v11 =	vbroadcast v44, $0xE;
	v14 =	vld.idx.msk [tilespmem:v16+s8+$0x0], $0xffff;
	v16 =	vadd.s32 v2, v23  }
0x1da: {  	v59 =	vld.idx.msk [tilespmem:v55+s8+$0x0], $0xffff;
	v0 =	vadd.f32 v1, v0;
	v1 =	vadd.f32 v3, v10;
	v3 =	vmul.f32 v12, v13  }
0x1db: {  	v12 =	vsub.f32 v17, v57;
	v13 =	vbroadcast v44, $0xF;
	v17 =	vld.idx.msk [tilespmem:v18+s8+$0x0], $0xffff;
	v18 =	vadd.s32 v2, v24  }
0x1dc: {  	v10 =	vld.idx.msk [tilespmem:v25+s8+$0x0], $0xffff;
	v0 =	vadd.f32 v1, v0;
	v1 =	vadd.f32 v3, v51;
	v3 =	vmul.f32 v9, v11  }
0x1dd: {  	v34 =	vmovc v21;
	v21 =	vadd.s32 v2, v26;
	v20 =	vld.idx.msk [tilespmem:v20+s8+$0x0], $0xffff;
	v9 =	vsub.f32 v58, v8;
	v11 =	vbroadcast v19, $0x0  }
0x1de: {  	v62 =	vld.idx.msk [tilespmem:v46+s8+$0x0], $0xffff;
	v0 =	vadd.f32 v1, v0;
	v1 =	vadd.f32 v3, v54;
	v3 =	vmul.f32 v12, v13  }
0x1df: {  	v12 =	vsub.f32 v14, v59;
	v13 =	vbroadcast v19, $0x1;
	v14 =	vld.idx.msk [tilespmem:v16+s8+$0x0], $0xffff;
	v16 =	vadd.s32 v2, v28  }
0x1e0: {  	v46 =	vld [tilespmem:$0x1FF10];
	v0 =	vadd.f32 v1, v0;
	v1 =	vadd.f32 v3, v57;
	v3 =	vmul.f32 v11, v9  }
0x1e1: {  	v9 =	vsub.f32 v17, v10;
	v11 =	vbroadcast v19, $0x2;
	v17 =	vld.idx.msk [tilespmem:v18+s8+$0x0], $0xffff;
	v18 =	vadd.s32 v2, v30  }
0x1e2: {  	v4 =	vld.idx.msk [tilespmem:v45+s8+$0x0], $0xffff;
	v0 =	vadd.f32 v1, v0;
	v1 =	vadd.f32 v3, v8;
	v3 =	vmul.f32 v13, v12  }
0x1e3: {  	v12 =	vsub.f32 v20, v60;
	v13 =	vbroadcast v19, $0x3;
	v20 =	vld.idx.msk [tilespmem:v21+s8+$0x0], $0xffff;
	v21 =	vadd.s32 v2, v27  }
0x1e4: {  	v8 =	vld.idx.msk [tilespmem:v43+s8+$0x0], $0xffff;
	v0 =	vadd.f32 v1, v0;
	v1 =	vadd.f32 v3, v59;
	v3 =	vmul.f32 v11, v9  }
0x1e5: {  	v9 =	vsub.f32 v14, v61;
	v11 =	vbroadcast v19, $0x4;
	v14 =	vld.idx.msk [tilespmem:v16+s8+$0x0], $0xffff;
	v16 =	vadd.s32 v2, v31  }
0x1e6: {  	v44 =	vld.idx.msk [tilespmem:v37+s8+$0x0], $0xffff;
	v0 =	vadd.f32 v0, v1;
	v1 =	vadd.f32 v3, v10;
	v3 =	vmul.f32 v12, v13  }
0x1e7: {  	v12 =	vsub.f32 v17, v62;
	v13 =	vbroadcast v19, $0x5;
	v17 =	vld.idx.msk [tilespmem:v18+s8+$0x0], $0xffff;
	v18 =	vadd.s32 v2, v33  }
0x1e8: {  	v10 =	vld.idx.msk [tilespmem:v39+s8+$0x0], $0xffff;
	v0 =	vadd.f32 v0, v1;
	v1 =	vadd.f32 v3, v60;
	v3 =	vmul.f32 v9, v11  }
0x1e9: {  	v6 =	vld.idx.msk [tilespmem:v46+s8+$0x0], $0xffff;
	v9 =	vsub.f32 v20, v8;
	v11 =	vbroadcast v19, $0x6  }
0x1ea: {  	v20 =	vld.idx.msk [tilespmem:v21+s8+$0x0], $0xffff;
	v0 =	vadd.f32 v0, v1;
	v1 =	vadd.f32 v3, v61;
	v3 =	vmul.f32 v12, v13  }
0x1eb: {  	v21 =	vadd.s32 v2, v35;
	v12 =	vsub.f32 v14, v63;
	v13 =	vbroadcast v19, $0x7;
	v14 =	vld.idx.msk [tilespmem:v16+s8+$0x0], $0xffff  }
0x1ec: {  	v16 =	vld [tilespmem:$0x1FF00];
	v0 =	vadd.f32 v0, v1;
	v1 =	vadd.f32 v3, v62;
	v3 =	vmul.f32 v9, v11  }
0x1ed: {  	v9 =	vsub.f32 v17, v10;
	v11 =	vbroadcast v19, $0x8;
	v17 =	vld.idx.msk [tilespmem:v18+s8+$0x0], $0xffff  }
0x1ee: {  	v0 =	vadd.f32 v0, v1;
	v1 =	vadd.f32 v3, v8;
	v3 =	vmul.f32 v12, v13;
	v8 =	vld [tilespmem:$0x1FF30]  }
0x1ef: {  	v18 =	vld [tilespmem:$0x1FF20];
	v12 =	vsub.f32 v20, v44  }
0x1f0: {  	v20 =	vld.idx.msk [tilespmem:v21+s8+$0x0], $0xffff;
	v0 =	vadd.f32 v1, v0;
	v1 =	vadd.f32 v3, v63;
	v3 =	vmul.f32 v9, v11  }
0x1f1: {  	v21 =	vld [tilespmem:$0x1FF40]  }
0x1f2: {  	v0 =	vadd.f32 v1, v0;
	v1 =	vadd.f32 v3, v10;
	v10 =	vld [tilespmem:$0x1FF70]  }
0x1f3: {  	v16 =	vadd.s32 v2, v16  }
0x1f4: {  	v5 =	vld.idx.msk [tilespmem:v47+s8+$0x0], $0xffff;
	v13 =	vbroadcast v19, $0x9;
	v18 =	vadd.s32 v2, v18  }
0x1f5: {  	v7 =	vld.idx.msk [tilespmem:v48+s8+$0x0], $0xffff;
	v11 =	vsub.f32 v14, v4  }
0x1f6: {  	v14 =	vbroadcast v19, $0xA;
	v3 =	vmul.f32 v12, v13;
	v21 =	vadd.s32 v2, v21;
	v8 =	vld.idx.msk [tilespmem:v8+s8+$0x0], $0xffff  }
0x1f7: {  	v9 =	vld [tilespmem:$0x1FF60];
	v13 =	vsub.f32 v17, v6;
	v17 =	vbroadcast v19, $0xB  }
0x1f8: {  	v16 =	vld.idx.msk [tilespmem:v16+s8+$0x0], $0xffff;
	v0 =	vadd.f32 v1, v0;
	v1 =	vadd.f32 v3, v44;
	v3 =	vmul.f32 v11, v14  }
0x1f9: {  	v18 =	vld.idx.msk [tilespmem:v18+s8+$0x0], $0xffff  }
0x1fa: {  	v0 =	vadd.f32 v1, v0;
	v1 =	vadd.f32 v3, v4;
	v3 =	vmul.f32 v13, v17;
	v10 =	vld.idx.msk [tilespmem:v10+s8+$0x0], $0xffff  }
0x1fb: {  	v49 =	vbroadcast v15, $0x1;
	v14 =	vbroadcast v19, $0xC;
	v11 =	vsub.f32 v20, v8;
	v20 =	vld.idx.msk [tilespmem:v21+s8+$0x0], $0xffff  }
0x1fc: {  	v32 =	vlaneseq.u32;
	v0 =	vadd.f32 v1, v0;
	v1 =	vadd.f32 v3, v6  }
0x1fd: {  	v13 =	vsub.f32 v16, v5;
	v16 =	vbroadcast v19, $0xD;
	v3 =	vmul.f32 v11, v14  }
0x1fe: {  	v9 =	vbroadcast v9, $0x0;
	v0 =	vadd.f32 v1, v0;
	v14 =	vbroadcast v19, $0xE  }
0x1ff: {  	v11 =	vsub.f32 v18, v10;
	v1 =	vadd.f32 v3, v8;
	v3 =	vmul.f32 v13, v16  }
0x200: {  	v12 =	vor.u32 v32, v9;
	v13 =	vbroadcast v19, $0xF;
	v8 =	vsub.f32 v20, v7  }
0x201: {  	v0 =	vadd.f32 v1, v0;
	v1 =	vadd.f32 v3, v5;
	v3 =	vmul.f32 v11, v14  }
0x202: {  	v50 =	vor.u32 v32, v49;
	v9 =	vadd.s32 v2, v9;
	v11 =	vbroadcast v15, $0x2  }
0x203: {  	v51 =	vld [tilespmem:$0x1FF90];
	v0 =	vadd.f32 v1, v0;
	v1 =	vadd.f32 v3, v10;
	v3 =	vmul.f32 v8, v13  }
0x204: {  	v4 =	vadd.s32 v2, v49;
	v8 =	vor.u32 v32, v11;
	v10 =	vadd.s32 v2, v11  }
0x205: {  	v11 =	vbroadcast v15, $0x3;
	v0 =	vadd.f32 v1, v0;
	v1 =	vadd.f32 v3, v7;
	v3 =	vld [tilespmem:$0x1FFA0]  }
0x206: {  	v12 =	vld.idx.msk [tilespmem:v12+s8+$0x0], $0xffff  }
0x207: {  	v9 =	vld.idx.msk [tilespmem:v9+s8+$0x0], $0xffff;
	v52 =	vor.u32 v32, v11  }
0x208: {  	v6 =	vld.idx.msk [tilespmem:v50+s8+$0x0], $0xffff;
	v5 =	vcvt.s32.f32 v51;
	v53 =	vadd.s32 v2, v11  }
0x209: {  	v4 =	vld.idx.msk [tilespmem:v4+s8+$0x0], $0xffff;
	v16 =	vbroadcast v15, $0x6;
	v13 =	vbroadcast v15, $0x4  }
0x20a: {  	v17 =	vsub.f32 v3, v5  }
0x20b: {  	v18 =	vor.u32 v32, v16;
	v11 =	vadd.s32 v2, v13;
	v8 =	vld.idx.msk [tilespmem:v8+s8+$0x0], $0xffff  }
0x20c: {  	v0 =	vadd.f32 v1, v0;
	v3 =	vsub.f32 v9, v12;
	v5 =	vld.idx.msk [tilespmem:v52+s8+$0x0], $0xffff;
	v1 =	vbroadcast v17, $0x0  }
0x20d: {  	s11 =	smov.u32 s12;
	s12 =	sadd.s32 $0x20, s12;
	v22 =	vbroadcast v15, $0x9;
	v9 =	vor.u32 v32, v13;
	v13 =	vbroadcast v15, $0x5;
	v7 =	vld.idx.msk [tilespmem:v53+s8+$0x0], $0xffff  }
0x20e: {  	v4 =	vsub.f32 v4, v6;
	v20 =	vbroadcast v15, $0x8;
	[tilespmem:s12+$0x0] =	vst v0;
	v0 =	vmul.f32 v1, v3;
	v1 =	vld.idx.msk [tilespmem:v10+s8+$0x0], $0xffff  }
0x20f: {  	v14 =	vbroadcast v17, $0x1;
	v3 =	vor.u32 v32, v13;
	v10 =	vadd.s32 v2, v13  }
0x210: {  	v55 =	vld.idx.msk [tilespmem:v18+s8+$0x0], $0xffff;
	v0 =	vadd.f32 v0, v12;
	v12 =	vadd.s32 v2, v16;
	v16 =	vbroadcast v15, $0x7  }
0x211: {  	v24 =	vbroadcast v15, $0xA;
	v18 =	vor.u32 v32, v20;
	v11 =	vld.idx.msk [tilespmem:v11+s8+$0x0], $0xffff;
	v13 =	vbroadcast v17, $0x2  }
0x212: {  	v4 =	vmul.f32 v14, v4;
	v14 =	vbroadcast v17, $0x3;
	v9 =	vld.idx.msk [tilespmem:v9+s8+$0x0], $0xffff;
	v19 =	vor.u32 v32, v16  }
0x213: {  	v7 =	vsub.f32 v7, v5;
	v16 =	vadd.s32 v2, v16;
	v1 =	vsub.f32 v1, v8  }
0x214: {  	v20 =	vadd.s32 v2, v20;
	v4 =	vadd.f32 v4, v6;
	v0 =	vadd.f32 $0.0e+00, v0;
	v3 =	vld.idx.msk [tilespmem:v3+s8+$0x0], $0xffff  }
0x215: {  	v7 =	vmul.f32 v7, v14;
	v14 =	vor.u32 v32, v24;
	v10 =	vld.idx.msk [tilespmem:v10+s8+$0x0], $0xffff;
	v1 =	vmul.f32 v13, v1  }
0x216: {  	v54 =	vbroadcast v17, $0x4;
	v21 =	vbroadcast v17, $0x5;
	v0 =	vadd.f32 v0, v4;
	v12 =	vld.idx.msk [tilespmem:v12+s8+$0x0], $0xffff  }
0x217: {  	v13 =	vor.u32 v32, v22;
	v19 =	vld.idx.msk [tilespmem:v19+s8+$0x0], $0xffff;
	v1 =	vadd.f32 v1, v8;
	v8 =	vsub.f32 v11, v9  }
0x218: {  	v22 =	vadd.s32 v2, v22;
	v11 =	vld.idx.msk [tilespmem:v16+s8+$0x0], $0xffff;
	v16 =	vadd.s32 v2, v24;
	v24 =	vbroadcast v15, $0xB  }
0x219: {  	v57 =	vld.idx.msk [tilespmem:v18+s8+$0x0], $0xffff;
	v0 =	vadd.f32 v0, v1;
	v1 =	vadd.f32 v7, v5;
	v56 =	vmul.f32 v8, v54  }
0x21a: {  	v23 =	vbroadcast v17, $0x6;
	v14 =	vld.idx.msk [tilespmem:v14+s8+$0x0], $0xffff;
	v58 =	vsub.f32 v10, v3;
	v18 =	vor.u32 v32, v24  }
0x21b: {  	v10 =	vld.idx.msk [tilespmem:v20+s8+$0x0], $0xffff;
	v0 =	vadd.f32 v0, v1;
	v1 =	vadd.f32 v56, v9;
	v9 =	vadd.s32 v2, v24  }
0x21c: {  	v20 =	vbroadcast v15, $0xC;
	v59 =	vld.idx.msk [tilespmem:v13+s8+$0x0], $0xffff;
	v7 =	vmul.f32 v58, v21;
	v12 =	vsub.f32 v12, v55  }
0x21d: {  	v8 =	vbroadcast v17, $0x7;
	v13 =	vld.idx.msk [tilespmem:v22+s8+$0x0], $0xffff;
	v0 =	vadd.f32 v0, v1;
	v1 =	vsub.f32 v11, v19  }
0x21e: {  	v3 =	vadd.f32 v7, v3;
	v60 =	vmul.f32 v12, v23;
	v12 =	vld.idx.msk [tilespmem:v16+s8+$0x0], $0xffff  }
0x21f: {  	v16 =	vor.u32 v32, v20;
	v1 =	vmul.f32 v1, v8;
	v8 =	vld.idx.msk [tilespmem:v18+s8+$0x0], $0xffff  }
0x220: {  	v18 =	vadd.s32 v2, v20;
	v0 =	vadd.f32 v0, v3;
	v62 =	vld.idx.msk [tilespmem:v9+s8+$0x0], $0xffff  }
0x221: {  	v20 =	vbroadcast v15, $0xD;
	v3 =	vadd.f32 v60, v55;
	v9 =	vsub.f32 v10, v57;
	v10 =	vld [tilespmem:$0x1FFB0]  }
0x222: {  	v61 =	vbroadcast v17, $0x9;
	v11 =	vbroadcast v17, $0x8;
	v1 =	vadd.f32 v1, v19  }
0x223: {  	v0 =	vadd.f32 v3, v0;
	v3 =	vsub.f32 v13, v59;
	v13 =	vor.u32 v32, v20  }
0x224: {  	v19 =	vbroadcast v15, $0xE;
	v9 =	vmul.f32 v9, v11;
	v11 =	vld.idx.msk [tilespmem:v16+s8+$0x0], $0xffff;
	v16 =	vadd.s32 v2, v20  }
0x225: {  	v0 =	vadd.f32 v1, v0;
	v1 =	vmul.f32 v3, v61;
	v3 =	vsub.f32 v12, v14  }
0x226: {  	v6 =	vadd.f32 v9, v57;
	v9 =	vbroadcast v17, $0xA;
	v10 =	vcvt.f32.s32 v10  }
0x227: {  	v12 =	vadd.s32 v2, v19;
	v63 =	vld.idx.msk [tilespmem:v18+s8+$0x0], $0xffff;
	v1 =	vadd.f32 v1, v59;
	v33 =	vsub.f32 v62, v8  }
0x228: {  	v0 =	vadd.f32 v6, v0;
	v3 =	vmul.f32 v3, v9;
	vm15 =	vlt.s32 v10, $0x1E  }
0x229: {  	v44 =	vld.idx.msk [tilespmem:v13+s8+$0x0], $0xffff;
	v9 =	vor.u32 v32, v19;
	v13 =	vbroadcast v15, $0xF;
	v43 =	vnsel vm15, $0x1E, v10  }
0x22a: {  	v0 =	vadd.f32 v1, v0;
	v1 =	vbroadcast v17, $0xB;
	v3 =	vadd.f32 v3, v14  }
0x22b: {  	v10 =	vld.idx.msk [tilespmem:v16+s8+$0x0], $0xffff;
	v14 =	vor.u32 v32, v13;
	v45 =	vadd.s32 v2, v13;
	v15 =	vshll.u32 v43, $0x4  }
0x22c: {  	v4 =	vsub.f32 v63, v11;
	v16 =	vadd.s32 v36, v15;
	v1 =	vmul.f32 v33, v1  }
0x22d: {  	v0 =	vadd.f32 v3, v0;
	v3 =	vbroadcast v17, $0xC;
	v13 =	vbroadcast v16, $0x0  }
0x22e: {  	v15 =	vbroadcast v16, $0x1  }
0x22f: {  	v1 =	vadd.f32 v1, v8;
	v8 =	vld.idx.msk [tilespmem:v12+s8+$0x0], $0xffff;
	v3 =	vmul.f32 v4, v3;
	v12 =	vor.u32 v32, v13  }
0x230: {  	v9 =	vld.idx.msk [tilespmem:v9+s8+$0x0], $0xffff;
	v13 =	vadd.s32 v2, v13;
	v46 =	vsub.f32 v10, v44;
	v10 =	vbroadcast v17, $0xD  }
0x231: {  	v18 =	vadd.s32 v2, v15;
	v0 =	vadd.f32 v1, v0;
	v1 =	vld.idx.msk [tilespmem:v14+s8+$0x0], $0xffff;
	v14 =	vor.u32 v32, v15  }
0x232: {  	v3 =	vadd.f32 v3, v11;
	v15 =	vld [tilespmem:$0x1FFC0];
	v4 =	vmul.f32 v46, v10;
	v10 =	vbroadcast v16, $0x2  }
0x233: {  	v7 =	vcvt.s32.f32 v43;
	v5 =	vld.idx.msk [tilespmem:v45+s8+$0x0], $0xffff;
	v11 =	vbroadcast v17, $0xE  }
0x234: {  	v0 =	vadd.f32 v3, v0;
	v3 =	vadd.f32 v4, v44;
	v48 =	vor.u32 v32, v10;
	v47 =	vld.idx.msk [tilespmem:v12+s8+$0x0], $0xffff  }
0x235: {  	v8 =	vsub.f32 v8, v9;
	v10 =	vadd.s32 v2, v10;
	v12 =	vld.idx.msk [tilespmem:v13+s8+$0x0], $0xffff;
	v13 =	vbroadcast v16, $0x3  }
0x236: {  	v19 =	vbroadcast v16, $0x5;
	v20 =	vbroadcast v16, $0x8;
	v0 =	vadd.f32 v3, v0  }
0x237: {  	v15 =	vsub.f32 v15, v7;
	v49 =	vld.idx.msk [tilespmem:v14+s8+$0x0], $0xffff;
	v8 =	vmul.f32 v8, v11;
	v14 =	vor.u32 v32, v13  }
0x238: {  	v3 =	vbroadcast v17, $0xF;
	v11 =	vld.idx.msk [tilespmem:v18+s8+$0x0], $0xffff;
	v5 =	vsub.f32 v5, v1;
	v18 =	vbroadcast v16, $0x4  }
0x239: {  	v40 =	vld [tilespmem:$0x1FE90];
	v13 =	vadd.s32 v2, v13;
	v17 =	vbroadcast v15, $0x0;
	v8 =	vadd.f32 v8, v9  }
0x23a: {  	v3 =	vmul.f32 v5, v3;
	v50 =	vld.idx.msk [tilespmem:v10+s8+$0x0], $0xffff;
	v10 =	vor.u32 v32, v18;
	v18 =	vadd.s32 v2, v18  }
0x23b: {  	v6 =	vld.idx.msk [tilespmem:v48+s8+$0x0], $0xffff;
	v0 =	vadd.f32 v8, v0;
	v8 =	vsub.f32 v12, v47;
	v12 =	vor.u32 v32, v19  }
0x23c: {  	v1 =	vadd.f32 v3, v1;
	v3 =	vld.idx.msk [tilespmem:v14+s8+$0x0], $0xffff;
	v14 =	vadd.s32 v2, v19;
	v19 =	vbroadcast v16, $0x6  }
0x23d: {  	v42 =	vld [tilespmem:$0x1FEA0];
	v9 =	vbroadcast v15, $0x1;
	v11 =	vsub.f32 v11, v49;
	v8 =	vmul.f32 v17, v8  }
0x23e: {  	v59 =	vbroadcast v16, $0xC;
	v13 =	vld.idx.msk [tilespmem:v13+s8+$0x0], $0xffff;
	v0 =	vadd.f32 v1, v0;
	v1 =	vor.u32 v32, v19  }
0x23f: {  	v4 =	vadd.f32 v8, v47;
	v8 =	vmul.f32 v9, v11;
	v9 =	vld.idx.msk [tilespmem:v10+s8+$0x0], $0xffff;
	v10 =	vbroadcast v16, $0x7  }
0x240: {  	v41 =	vld [tilespmem:$0x1FEB0];
	v61 =	vbroadcast v16, $0xD;
	v17 =	vbroadcast v15, $0x2;
	v19 =	vadd.s32 v2, v19  }
0x241: {  	v5 =	vsub.f32 v50, v6;
	v18 =	vld.idx.msk [tilespmem:v18+s8+$0x0], $0xffff;
	v51 =	vadd.f32 v8, v49;
	v8 =	vor.u32 v32, v10  }
0x242: {  	v11 =	vbroadcast v15, $0x3;
	v52 =	vld.idx.msk [tilespmem:v12+s8+$0x0], $0xffff;
	v0 =	vadd.f32 v4, v0;
	v10 =	vadd.s32 v2, v10  }
0x243: {  	v5 =	vmul.f32 v17, v5;
	v14 =	vld.idx.msk [tilespmem:v14+s8+$0x0], $0xffff;
	v53 =	vsub.f32 v13, v3;
	v13 =	vor.u32 v32, v20  }
0x244: {  	v60 =	vbroadcast v15, $0x8;
	v17 =	vadd.s32 v2, v20;
	v0 =	vadd.f32 v0, v51;
	v1 =	vld.idx.msk [tilespmem:v1+s8+$0x0], $0xffff  }
0x245: {  	v5 =	vadd.f32 v5, v6;
	v54 =	vld.idx.msk [tilespmem:v19+s8+$0x0], $0xffff;
	v19 =	vbroadcast v16, $0x9;
	v4 =	vmul.f32 v53, v11  }
0x246: {  	v12 =	vbroadcast v15, $0x4;
	v11 =	vbroadcast v15, $0x5;
	v55 =	vsub.f32 v18, v9;
	v8 =	vld.idx.msk [tilespmem:v8+s8+$0x0], $0xffff  }
0x247: {  	v0 =	vadd.f32 v0, v5;
	v18 =	vor.u32 v32, v19;
	v3 =	vadd.f32 v4, v3;
	v56 =	vld.idx.msk [tilespmem:v10+s8+$0x0], $0xffff  }
0x248: {  	v10 =	vadd.s32 v2, v19;
	v19 =	vbroadcast v16, $0xA;
	v5 =	vmul.f32 v55, v12;
	v13 =	vld.idx.msk [tilespmem:v13+s8+$0x0], $0xffff  }
0x249: {  	v12 =	vsub.f32 v14, v52;
	v14 =	vbroadcast v15, $0x6;
	v0 =	vadd.f32 v0, v3;
	v3 =	vld.idx.msk [tilespmem:v17+s8+$0x0], $0xffff  }
0x24a: {  	v37 =	vld [tilespmem:$0x1FED0];
	v17 =	vor.u32 v32, v19;
	v19 =	vadd.s32 v2, v19;
	v5 =	vadd.f32 v5, v9  }
0x24b: {  	v39 =	vld [tilespmem:$0x1FEC0];
	v9 =	vmul.f32 v12, v11;
	v6 =	vsub.f32 v54, v1;
	v11 =	vbroadcast v15, $0x7  }
0x24c: {  	v0 =	vadd.f32 v0, v5;
	v5 =	vadd.s32 v2, v59;
	v12 =	vld.idx.msk [tilespmem:v18+s8+$0x0], $0xffff;
	v18 =	vbroadcast v16, $0xB  }
0x24d: {  	v57 =	vadd.f32 v9, v52;
	v6 =	vmul.f32 v6, v14;
	v58 =	vld.idx.msk [tilespmem:v10+s8+$0x0], $0xffff;
	v4 =	vsub.f32 v56, v8  }
0x24e: {  	v35 =	vld [tilespmem:$0x1FEF0];
	v9 =	vor.u32 v32, v18;
	v10 =	vadd.s32 v2, v18;
	v3 =	vsub.f32 v3, v13  }
0x24f: {  	v0 =	vadd.f32 v0, v57;
	v1 =	vadd.f32 v6, v1;
	v17 =	vld.idx.msk [tilespmem:v17+s8+$0x0], $0xffff;
	v4 =	vmul.f32 v4, v11  }
0x250: {  	v63 =	vbroadcast v16, $0xF;
	v62 =	vor.u32 v32, v61;
	v11 =	vld.idx.msk [tilespmem:v19+s8+$0x0], $0xffff;
	v3 =	vmul.f32 v3, v60  }
0x251: {  	v0 =	vadd.f32 v1, v0;
	v1 =	vor.u32 v32, v59;
	v4 =	vadd.f32 v4, v8;
	v25 =	vld.idx.msk [tilespmem:v5+s8+$0x0], $0xffff  }
0x252: {  	s13 =	sadd.s32 $0x2, s13;
	v8 =	vbroadcast v15, $0x9;
	v7 =	vsub.f32 v58, v12;
	v3 =	vadd.f32 v3, v13;
	v13 =	vld [tilespmem:$0x1FFD0]  }
0x253: {  	p0 =	slt.u32 s13, $0x3E;
	v0 =	vadd.f32 v4, v0;
	v18 =	vld.idx.msk [tilespmem:v9+s8+$0x0], $0xffff  }
.Ltmp0:
0x254: {  	v23 =	vor.u32 v32, v63;
	v24 =	vld.idx.msk [tilespmem:v10+s8+$0x0], $0xffff;
	v7 =	vmul.f32 v7, v8;
	(pc) =	sbr.rel @p0 .LBB2_2-.Ltmp0, $4  }
0x255: {  	v22 =	vadd.s32 v2, v63;
	v9 =	vbroadcast v16, $0xE;
	v10 =	vld [tilespmem:$0x1FFE0];
	v0 =	vadd.f32 v3, v0  }
0x256: {  	v8 =	vbroadcast v15, $0xA;
	v3 =	vsub.f32 v11, v17;
	v14 =	vld.idx.msk [tilespmem:v1+s8+$0x0], $0xffff;
	v1 =	vadd.f32 v7, v12  }
0x257: {  	v26 =	vbroadcast v15, $0xB;
	v19 =	vadd.s32 v2, v61;
	v16 =	vld.idx.msk [tilespmem:v62+s8+$0x0], $0xffff;
	v21 =	vor.u32 v32, v9  }
0x258: {  	s14 =	sadd.s32 $0x40, s14;
	v38 =	vmovc v29;
	v12 =	vld [tilespmem:$0x1FFF0];
	v20 =	vadd.s32 v2, v9;
	v28 =	vmul.f32 v3, v8;
	v27 =	vadd.f32 v1, v0  }
0x259: {  	_ =	sdelay $0x3  }
0x25a: {  	v0 =	vsub.f32 v24, v18;
	v1 =	vld.idx.msk [tilespmem:v19+s8+$0x0], $0xffff  }
0x25b: {  	v4 =	vld.idx.msk [tilespmem:v21+s8+$0x0], $0xffff;
	v5 =	vbroadcast v15, $0xC  }
0x25c: {  	v7 =	vld.idx.msk [tilespmem:v20+s8+$0x0], $0xffff;
	v3 =	vadd.f32 v28, v17;
	v0 =	vmul.f32 v0, v26;
	v6 =	vsub.f32 v25, v14  }
0x25d: {  	v8 =	vld.idx.msk [tilespmem:v23+s8+$0x0], $0xffff  }
0x25e: {  	v56 =	vld.idx.msk [tilespmem:v22+s8+$0x0], $0xffff;
	v3 =	vadd.f32 v3, v27;
	v0 =	vadd.f32 v0, v18;
	v5 =	vmul.f32 v6, v5  }
0x25f: {  	v9 =	vbroadcast v15, $0xD;
	v11 =	vbroadcast v15, $0xE;
	v1 =	vsub.f32 v1, v16  }
0x260: {  	v10 =	vmul.f32 v12, v10;
	v0 =	vadd.f32 v0, v3;
	v3 =	vadd.f32 v5, v14  }
0x261: {  	v58 =	vmul.f32 v42, v41;
	v7 =	vsub.f32 v7, v4;
	v1 =	vmul.f32 v1, v9  }
0x262: {  	v59 =	vbroadcast v15, $0xF;
	v57 =	vadd.f32 v10, v37;
	v0 =	vadd.f32 v3, v0  }
0x263: {  	v60 =	vmul.f32 v7, v11;
	v3 =	vsub.f32 v56, v8;
	v1 =	vadd.f32 v1, v16  }
0x264: {  	v61 =	vmul.f32 v13, v40;
	v9 =	vadd.f32 v58, v39;
	v5 =	vadd.f32 v57, v35  }
0x265: {  	v3 =	vmul.f32 v3, v59;
	v0 =	vadd.f32 v1, v0;
	v1 =	vadd.f32 v60, v4  }
0x266: {  	v63 =	vadd.f32 v61, v38;
	v62 =	vadd.f32 v9, v5  }
0x267: {  	v0 =	vadd.f32 v1, v0;
	v1 =	vadd.f32 v3, v8  }
0x268: {  	v3 =	vadd.f32 v63, v62  }
0x269: {  	s10 =	sadd.s32 $0x1, s10;
	v0 =	vadd.f32 v1, v0  }
0x26a: {  	p0 =	sne.s32 s10, s6;
	[tilespmem:s11+$0xFFFFFFF0] =	vst v3  }
.Ltmp1:
0x26b: {  	[tilespmem:s12+$0xFFFFFFF0] =	vst v0;
	(pc) =	sbr.rel @p0 .LBB2_1-.Ltmp1, $4  }
0x26c: {  	[hbm4b:s5+s2] =	stream.linear.scatter [tilespmem:s9], [sflag:$0x1], $0x400, $0x38;
	[tilespmem:$0x4C00] =	vst v63  }
0x26d: {  	_ =	swait.ge [sflag:s7], $0x400  }
0x26e: {  	[sflag:s7] =	ssyncset.done $0x0  }
0x26f: {  	[sflag:s7] =	ssyncadd.s32 $0xFFFFFC00  }
0x270: {  	_ =	sfence.sel $0x180000  }
0x271: {  	[bflag:$0x0] =	sbarrier.arrive $0xFFFF  }
0x272: {  	p0 =	sne.s32 s1, $0x0;
	_ =	strace $0x90000047  }
0x273: {  	s0 =	sadd.s32 @!p0 $0x100000, s0;
	[bflag:$0x2] =	sbarrier.arrive $0xFFFF  }
0x274: {  	[sflag:s0] =	ssyncadd.tile.s32 @!p0 $0x1;
	_ =	shalt  }
.Lfunc_end2:
_tile_overlayer_lowered:
.L_overlay_start_2:
0x275: {  	(tag) =	ssettag $0x2  }
0x276: {  	s0 =	rddreg [dreg:$0x0];
	s2 =	stileid.u32  }
0x277: {  	s1 =	rddreg [dreg:$0x1];
	p0 =	sne.s32 s2, $0x0  }
0x278: {  	s3 =	rddreg [dreg:$0x2];
	[bflag:$0x3] =	sbarrier.arrive $0xFFFF;
	s2 =	simm.s32 @!p0 $0x1C01  }
0x279: {  	[timem:s3], [sflag:s2] =	dma.local @!p0 [hbm:s0], s1  }
0x27a: {  	s0 =	simm.s32 @!p0 $0x1  }
0x27b: {  	_ =	swait.ge @!p0 [sflag:s0], s1  }
0x27c: {  	s1 =	ssub.s32 @!p0 $0x0, s1;
	[sflag:s0] =	ssyncset.done @!p0 $0x0  }
0x27d: {  	[sflag:s0] =	ssyncadd.s32 @!p0 s1  }
0x27e: {  	[bflag:$0x3] =	sbarrier.arrive $0xFFFF  }
0x27f: {  	_ =	shalt  }

</sc_bundles>
